<compile_context>
chip_gen: v7x
topology: tpu7x:2x2x1
jax: 0.10.2.dev20260603
libtpu: 0.0.44.dev20260713+nightly
codegen_flags: <defaults>
</compile_context>

<pallas_src>
import jax
import jax.numpy as jnp
from jax import lax
from jax.experimental import pallas as pl
from jax.experimental.pallas import tpu as pltpu
from jax.experimental.pallas import tpu_sc as plsc

N_NODES = 10000
D = 128
N_EDGES = 320000
NC = 2
NS = 16
NW = NC * NS
GROUP = 128
NG = 80
NGA = 80
NGB = 2 * NG - NGA
E_PAD = NW * NG * GROUP
ACC_ROWS = 10240
RPS = ACC_ROWS // NS


def _bincount_pair(srp_v, p, cnt_v):
    ones16 = jnp.ones((16,), jnp.float32)
    for j in range(GROUP // 16):
        idx = srp_v[p, 1, pl.ds(j * 16, 16)]
        plsc.addupdate_scatter(cnt_v, [idx], ones16)


def _sc_aggregate_body(x_hbm, sr_hbm, zx_hbm, acc_out, cnt_out,
                       srpa_v, srpb_v, rows0_v, rows1_v, cnt_v, acc_sh,
                       sem_g0, sem_g1, sem_s0, sem_s1):
    cid = lax.axis_index("c")
    sid = lax.axis_index("s")
    wid = sid * NC + cid
    rbase = sid * RPS
    gbase = jnp.where(cid == 0, sid * NGA, NS * NGA + sid * NGB)
    nb = NG // 4

    def wait_g(rows_v, sem):
        pltpu.make_async_copy(x_hbm.at[srpa_v.at[0, 0]], rows_v, sem).wait()

    def wait_s(rows_v, sem):
        pltpu.make_async_copy(rows_v, acc_sh.at[srpa_v.at[0, 1]], sem).wait()

    pltpu.sync_copy(zx_hbm, acc_sh.at[pl.ds(rbase, RPS)])

    def z(i, c):
        cnt_v[pl.ds(i * 16, 16)] = jnp.zeros((16,), jnp.float32)
        return c

    lax.fori_loop(0, ACC_ROWS // 16, z, 0)
    pltpu.sync_copy(sr_hbm.at[pl.ds(gbase, 2)], srpa_v)
    pltpu.async_copy(x_hbm.at[srpa_v.at[0, 0]], rows0_v, sem_g0)
    plsc.subcore_barrier()

    def body(k, carry):
        @pl.when(k > 0)
        def _():
            wait_s(rows1_v, sem_s1)
        pltpu.async_copy(x_hbm.at[srpa_v.at[1, 0]], rows1_v, sem_g1)
        wait_g(rows0_v, sem_g0)
        _bincount_pair(srpa_v, 0, cnt_v)
        pltpu.async_copy(rows0_v, acc_sh.at[srpa_v.at[0, 1]], sem_s0,
                         add=True)
        pltpu.sync_copy(sr_hbm.at[pl.ds(gbase + 4 * k + 2, 2)], srpb_v)
        wait_s(rows0_v, sem_s0)
        pltpu.async_copy(x_hbm.at[srpb_v.at[0, 0]], rows0_v, sem_g0)
        wait_g(rows1_v, sem_g1)
        _bincount_pair(srpa_v, 1, cnt_v)
        pltpu.async_copy(rows1_v, acc_sh.at[srpa_v.at[1, 1]], sem_s1,
                         add=True)
        wait_s(rows1_v, sem_s1)
        pltpu.async_copy(x_hbm.at[srpb_v.at[1, 0]], rows1_v, sem_g1)
        wait_g(rows0_v, sem_g0)
        _bincount_pair(srpb_v, 0, cnt_v)
        pltpu.async_copy(rows0_v, acc_sh.at[srpb_v.at[0, 1]], sem_s0,
                         add=True)

        @pl.when(k < nb - 1)
        def _():
            wait_s(rows0_v, sem_s0)
            pltpu.sync_copy(sr_hbm.at[pl.ds(gbase + 4 * k + 4, 2)], srpa_v)
            pltpu.async_copy(x_hbm.at[srpa_v.at[0, 0]], rows0_v, sem_g0)

        wait_g(rows1_v, sem_g1)
        _bincount_pair(srpb_v, 1, cnt_v)
        pltpu.async_copy(rows1_v, acc_sh.at[srpb_v.at[1, 1]], sem_s1,
                         add=True)
        return carry

    lax.fori_loop(0, nb, body, 0)
    wait_s(rows0_v, sem_s0)
    wait_s(rows1_v, sem_s1)
    plsc.subcore_barrier()

    pltpu.sync_copy(acc_sh.at[pl.ds(rbase, RPS)],
                    acc_out.at[cid, pl.ds(rbase, RPS)])
    pltpu.sync_copy(cnt_v, cnt_out.at[pl.ds(wid * ACC_ROWS, ACC_ROWS)])


def _tc_pre_body(x_ref, w1_ref, b_ref, o_ref):
    o_ref[...] = jnp.dot(
        x_ref[...], w1_ref[...],
        preferred_element_type=jnp.float32) + b_ref[...]


def _tc_combine_body(x_ref, pre_ref, acc_ref, cnt_ref, w2_ref, o_ref):
    cnt = lax.dot_general(
        cnt_ref[...], jnp.ones((NW, 1), jnp.float32),
        (((0,), (0,)), ((), ())),
        preferred_element_type=jnp.float32) + 1.0
    agg = (acc_ref[0] + acc_ref[1] + x_ref[...]) / cnt
    o_ref[...] = pre_ref[...] + jnp.dot(
        agg, w2_ref[...], preferred_element_type=jnp.float32)


def kernel(x, senders, receivers, n_nodes, W, b):
    pad = E_PAD - N_EDGES
    fill = jnp.arange(pad, dtype=jnp.int32)
    s_pad = jnp.concatenate([senders.astype(jnp.int32), fill % N_NODES])
    r_pad = jnp.concatenate(
        [receivers.astype(jnp.int32),
         N_NODES + fill % (ACC_ROWS - N_NODES)])
    sr = jnp.stack(
        [s_pad.reshape(NW * NG, GROUP), r_pad.reshape(NW * NG, GROUP)],
        axis=1)
    zx = jnp.zeros((RPS, D), jnp.float32)

    mesh = plsc.VectorSubcoreMesh(core_axis_name="c", subcore_axis_name="s")
    acc, cnt_flat = pl.kernel(
        _sc_aggregate_body,
        out_type=[
            jax.ShapeDtypeStruct((NC, ACC_ROWS, D), jnp.float32),
            jax.ShapeDtypeStruct((NW * ACC_ROWS,), jnp.float32),
        ],
        mesh=mesh,
        compiler_params=pltpu.CompilerParams(needs_layout_passes=False),
        scratch_types=[
            pltpu.VMEM((2, 2, GROUP), jnp.int32),
            pltpu.VMEM((2, 2, GROUP), jnp.int32),
            pltpu.VMEM((GROUP, D), jnp.float32),
            pltpu.VMEM((GROUP, D), jnp.float32),
            pltpu.VMEM((ACC_ROWS,), jnp.float32),
            pltpu.VMEM_SHARED((ACC_ROWS, D), jnp.float32),
            pltpu.SemaphoreType.DMA,
            pltpu.SemaphoreType.DMA,
            pltpu.SemaphoreType.DMA,
            pltpu.SemaphoreType.DMA,
        ],
    )(x, sr, zx)

    cnt32 = cnt_flat.reshape(NW, ACC_ROWS)

    w1t = W[:, :D].T
    w2t = W[:, D:].T
    b2 = b.reshape(1, D)

    blk = 2048
    pre = pl.pallas_call(
        _tc_pre_body,
        grid=(pl.cdiv(N_NODES, blk),),
        in_specs=[
            pl.BlockSpec((blk, D), lambda i: (i, 0)),
            pl.BlockSpec((D, D), lambda i: (0, 0)),
            pl.BlockSpec((1, D), lambda i: (0, 0)),
        ],
        out_specs=pl.BlockSpec((blk, D), lambda i: (i, 0)),
        out_shape=jax.ShapeDtypeStruct((N_NODES, D), jnp.float32),
    )(x, w1t, b2)

    out = pl.pallas_call(
        _tc_combine_body,
        grid=(pl.cdiv(N_NODES, blk),),
        in_specs=[
            pl.BlockSpec((blk, D), lambda i: (i, 0)),
            pl.BlockSpec((blk, D), lambda i: (i, 0)),
            pl.BlockSpec((NC, blk, D), lambda i: (0, i, 0)),
            pl.BlockSpec((NW, blk), lambda i: (0, i)),
            pl.BlockSpec((D, D), lambda i: (0, 0)),
        ],
        out_specs=pl.BlockSpec((blk, D), lambda i: (i, 0)),
        out_shape=jax.ShapeDtypeStruct((N_NODES, D), jnp.float32),
    )(x, pre, acc, cnt32, w2t)
    return out

# --- scband reference (transcript-rebuilt; emitter-appended) ---
"""Pipeline reference for scband-sageconv-54554674594336 (READ-ONLY COPY).

The authoritative reference and input builder live on the scoring server;
editing this copy changes nothing except your own understanding.
"""

import jax, jax.numpy as jnp
import numpy as np

EMBED_DIM = 128
N_NODES = 10000
N_EDGES = 320000

def setup_inputs(seed: int = 0) -> dict:
    key = jax.random.key(seed)
    k_x, k_s, k_r, k_w, k_b = jax.random.split(key, 5)
    x = jax.random.normal(k_x, (N_NODES, EMBED_DIM), dtype=jnp.float32)
    senders = jax.random.randint(k_s, (N_EDGES,), 0, N_NODES, dtype=jnp.int64 if jax.config.read('jax_enable_x64') else jnp.int32)
    receivers = jax.random.randint(k_r, (N_EDGES,), 0, N_NODES, dtype=jnp.int64 if jax.config.read('jax_enable_x64') else jnp.int32)
    # nn.Linear(2*D, D): weight [D, 2D], bias [D]; init like torch default (uniform)
    bound = 1.0 / np.sqrt(2 * EMBED_DIM)
    W = jax.random.uniform(k_w, (EMBED_DIM, 2 * EMBED_DIM), dtype=jnp.float32, minval=-bound, maxval=bound)
    b = jax.random.uniform(k_b, (EMBED_DIM,), dtype=jnp.float32, minval=-bound, maxval=bound)
    return {"x": x, "senders": senders, "receivers": receivers, "n_nodes": N_NODES, "W": W, "b": b}

def reference(x, senders, receivers, n_nodes, W, b):
    # with_self=True: append self loops
    n_static = x.shape[0]
    self_loop = jnp.mod(jnp.arange(n_static, dtype=senders.dtype), n_nodes).astype(senders.dtype)
    s = jnp.concatenate([senders, self_loop])
    r = jnp.concatenate([receivers, self_loop])
    sender_embeddings = jnp.take(x, s, axis=0)
    # degree_norm=False branch skipped
    aggregated = jnp.zeros((n_static, x.shape[1]), dtype=x.dtype).at[r].add(sender_embeddings)
    edge_count = jnp.zeros((n_static,), dtype=x.dtype).at[r].add(jnp.ones_like(r, dtype=x.dtype))
    edge_count = jnp.clip(edge_count, 1.0, None)
    aggregated = aggregated / edge_count[:, None]
    combined = jnp.concatenate([x, aggregated], axis=1)
    output = combined @ W.T + b
    return output

if __name__ == "__main__":
    import jax
    _d = setup_inputs()
    print(jax.jit(kernel)(*tuple(_d.values())))

</pallas_src>

<mosaic_0001>
#map = affine_map<(d0, d1) -> (0, 0)>
#map1 = affine_map<(d0, d1) -> (0, 0, 0)>
#map2 = affine_map<(d0, d1) -> (0)>
module attributes {stable_mosaic.version = 14 : i64} {
  func.func @_sc_aggregate_body(%arg0: i32, %arg1: i32, %arg2: memref<10000x128xf32, #tpu.memory_space<hbm>>, %arg3: memref<2560x2x128xi32, #tpu.memory_space<hbm>>, %arg4: memref<640x128xf32, #tpu.memory_space<hbm>>, %arg5: memref<2x10240x128xf32, #tpu.memory_space<hbm>>, %arg6: memref<327680xf32, #tpu.memory_space<hbm>>, %arg7: memref<2x2x128xi32, #tpu.memory_space<vmem>>, %arg8: memref<2x2x128xi32, #tpu.memory_space<vmem>>, %arg9: memref<128x128xf32, #tpu.memory_space<vmem>>, %arg10: memref<128x128xf32, #tpu.memory_space<vmem>>, %arg11: memref<10240xf32, #tpu.memory_space<vmem>>, %arg12: memref<10240x128xf32, #tpu.memory_space<vmem_shared>>, %arg13: memref<!tpu.dma_semaphore, #tpu.memory_space<semaphore_mem>>, %arg14: memref<!tpu.dma_semaphore, #tpu.memory_space<semaphore_mem>>, %arg15: memref<!tpu.dma_semaphore, #tpu.memory_space<semaphore_mem>>, %arg16: memref<!tpu.dma_semaphore, #tpu.memory_space<semaphore_mem>>) attributes {dimension_semantics = [#tpu.dimension_semantics<core_parallel>, #tpu.dimension_semantics<subcore_parallel>], iteration_bounds = array<i64: 2, 16>, scalar_prefetch = 0 : i64, scratch_operands = 10 : i64, tpu.core_type = #tpu.core_type<sc_vector_subcore>, window_params = [{transform_indices = #map}, {transform_indices = #map1}, {transform_indices = #map}, {transform_indices = #map1}, {transform_indices = #map2}]} {
    %mul3A = arith.constant 2 : i32
    %mul3A_0 = arith.muli %arg1, %mul3A : i32
    %add3A = arith.addi %mul3A_0, %arg0 : i32
    %mul3A_1 = arith.constant 640 : i32
    %mul3A_2 = arith.muli %arg1, %mul3A_1 : i32
    %eq3A = arith.constant 0 : i32
    %eq3A_3 = arith.cmpi eq, %arg0, %eq3A : i32
    %mul3A_4 = arith.constant 80 : i32
    %mul3A_5 = arith.muli %arg1, %mul3A_4 : i32
    %mul3A_6 = arith.constant 80 : i32
    %mul3A_7 = arith.muli %arg1, %mul3A_6 : i32
    %add3A_8 = arith.constant 1280 : i32
    %add3A_9 = arith.addi %add3A_8, %mul3A_7 : i32
    %select_n3A = arith.select %eq3A_3, %mul3A_5, %add3A_9 : i32
    "tpu.region"() ({
      %run_scoped3A = tpu.sem_alloc : memref<!tpu.dma_semaphore, #tpu.memory_space<semaphore_mem>>
      %dma_start3A_46 = arith.constant 0 : i32
      %dma_start3A_47 = tpu.memref_slice %arg12[%mul3A_2, %dma_start3A_46] : memref<10240x128xf32, #tpu.memory_space<vmem_shared>> -> memref<640x128xf32, #tpu.memory_space<vmem_shared>>
      tpu.enqueue_dma source(%arg4 : memref<640x128xf32, #tpu.memory_space<hbm>>) target(%dma_start3A_47 : memref<640x128xf32, #tpu.memory_space<vmem_shared>>) target_semaphore(%run_scoped3A : memref<!tpu.dma_semaphore, #tpu.memory_space<semaphore_mem>>)
      %dma_wait3A_48 = arith.constant 0 : i32
      %dma_wait3A_49 = tpu.memref_slice %arg12[%mul3A_2, %dma_wait3A_48] : memref<10240x128xf32, #tpu.memory_space<vmem_shared>> -> memref<640x128xf32, #tpu.memory_space<vmem_shared>>
      tpu.wait_dma2 semaphore(%run_scoped3A : memref<!tpu.dma_semaphore, #tpu.memory_space<semaphore_mem>>) src(%arg4 : memref<640x128xf32, #tpu.memory_space<hbm>>) dst(%dma_wait3A_49 : memref<640x128xf32, #tpu.memory_space<vmem_shared>>)
      tpu.yield
    }) : () -> ()
    %scan3A = arith.constant 0 : i32
    %scan3A_10 = arith.constant 0 : i32
    %scan3A_11 = arith.constant 640 : i32
    %scan3A_12 = arith.addi %scan3A_10, %scan3A_11 : i32
    %scan3A_13 = arith.constant 1 : i32
    scf.for %scan3A_46 = %scan3A_10 to %scan3A_12 step %scan3A_13  : i32 {
      %broadcast_in_dim3A = arith.constant 0.000000e+00 : f32
      %broadcast_in_dim3A_47 = vector.broadcast %broadcast_in_dim3A : f32 to vector<16xf32>
      %mul3A_48 = arith.constant 16 : i32
      %mul3A_49 = arith.muli %scan3A_46, %mul3A_48 : i32
      %swap3A = arith.index_cast %mul3A_49 : i32 to index
      %swap3A_50 = tpu.vector_load %arg11[%swap3A] {strides = array<i32>} : memref<10240xf32, #tpu.memory_space<vmem>>, vector<16xf32>,
      tpu.vector_store %arg11[%swap3A], %broadcast_in_dim3A_47 {strides = array<i32>} : memref<10240xf32, #tpu.memory_space<vmem>>, vector<16xf32>,
    }
    %scan3A_14 = arith.constant 640 : i32
    "tpu.region"() ({
      %run_scoped3A = tpu.sem_alloc : memref<!tpu.dma_semaphore, #tpu.memory_space<semaphore_mem>>
      %dma_start3A_46 = arith.constant 0 : i32
      %dma_start3A_47 = arith.constant 0 : i32
      %dma_start3A_48 = tpu.memref_slice %arg3[%select_n3A, %dma_start3A_46, %dma_start3A_47] : memref<2560x2x128xi32, #tpu.memory_space<hbm>> -> memref<2x2x128xi32, #tpu.memory_space<hbm>>
      %dma_start3A_49 = arith.constant 0 : i32
      %dma_start3A_50 = arith.constant 0 : i32
      %dma_start3A_51 = tpu.memref_slice %arg3[%select_n3A, %dma_start3A_49, %dma_start3A_50] : memref<2560x2x128xi32, #tpu.memory_space<hbm>> -> memref<2x2x128xi32, #tpu.memory_space<hbm>>
      tpu.enqueue_dma source(%dma_start3A_51 : memref<2x2x128xi32, #tpu.memory_space<hbm>>) target(%arg7 : memref<2x2x128xi32, #tpu.memory_space<vmem>>) target_semaphore(%run_scoped3A : memref<!tpu.dma_semaphore, #tpu.memory_space<semaphore_mem>>)
      %dma_wait3A_52 = arith.constant 0 : i32
      %dma_wait3A_53 = arith.constant 0 : i32
      %dma_wait3A_54 = tpu.memref_slice %arg3[%select_n3A, %dma_wait3A_52, %dma_wait3A_53] : memref<2560x2x128xi32, #tpu.memory_space<hbm>> -> memref<2x2x128xi32, #tpu.memory_space<hbm>>
      %dma_wait3A_55 = arith.constant 0 : i32
      %dma_wait3A_56 = arith.constant 0 : i32
      %dma_wait3A_57 = tpu.memref_slice %arg3[%select_n3A, %dma_wait3A_55, %dma_wait3A_56] : memref<2560x2x128xi32, #tpu.memory_space<hbm>> -> memref<2x2x128xi32, #tpu.memory_space<hbm>>
      tpu.wait_dma2 semaphore(%run_scoped3A : memref<!tpu.dma_semaphore, #tpu.memory_space<semaphore_mem>>) src(%dma_wait3A_57 : memref<2x2x128xi32, #tpu.memory_space<hbm>>) dst(%arg7 : memref<2x2x128xi32, #tpu.memory_space<vmem>>)
      tpu.yield
    }) : () -> ()
    %dma_start3A = arith.constant 0 : i32
    %dma_start3A_15 = arith.constant 0 : i32
    %dma_start3A_16 = arith.constant 0 : i32
    %dma_start3A_17 = tpu.memref_slice %arg7[%dma_start3A, %dma_start3A_15, %dma_start3A_16] : memref<2x2x128xi32, #tpu.memory_space<vmem>> -> memref<1x1x128xi32, #tpu.memory_space<vmem>>
    %dma_start3A_18 = tpu.memref_squeeze %dma_start3A_17 : memref<1x1x128xi32, #tpu.memory_space<vmem>> -> memref<128xi32, #tpu.memory_space<vmem>>
    %dma_start3A_19 = arith.constant 0 : i32
    %dma_start3A_20 = arith.constant 0 : i32
    %dma_start3A_21 = tpu.memref_slice %arg2[%dma_start3A_19, %dma_start3A_20] : memref<10000x128xf32, #tpu.memory_space<hbm>> -> memref<10000x128xf32, #tpu.memory_space<hbm>>
    tpu.enqueue_indirect_dma source(%dma_start3A_21 : memref<10000x128xf32, #tpu.memory_space<hbm>>) target(%arg9 : memref<128x128xf32, #tpu.memory_space<vmem>>) offsets(%dma_start3A_18 : memref<128xi32, #tpu.memory_space<vmem>>) semaphore(%arg13 : memref<!tpu.dma_semaphore, #tpu.memory_space<semaphore_mem>>)
    %barrier3A = arith.constant 0 : index
    tpu.barrier barrier_id(%barrier3A)
    %scan3A_22 = arith.constant 0 : i32
    %scan3A_23 = arith.constant 0 : i32
    %scan3A_24 = arith.constant 20 : i32
    %scan3A_25 = arith.addi %scan3A_23, %scan3A_24 : i32
    %scan3A_26 = arith.constant 1 : i32
    scf.for %scan3A_46 = %scan3A_23 to %scan3A_25 step %scan3A_26  : i32 {
      %gt3A = arith.constant 0 : i32
      %gt3A_47 = arith.cmpi sgt, %scan3A_46, %gt3A : i32
      %convert_element_type3A = arith.extui %gt3A_47 : i1 to i32
      %cond3A = arith.constant 0 : i32
      %cond3A_48 = arith.cmpi ne, %convert_element_type3A, %cond3A : i32
      scf.if %cond3A_48 {
        %dma_wait3A_360 = arith.constant 0 : i32
        %dma_wait3A_361 = arith.constant 1 : i32
        %dma_wait3A_362 = arith.constant 0 : i32
        %dma_wait3A_363 = tpu.memref_slice %arg7[%dma_wait3A_360, %dma_wait3A_361, %dma_wait3A_362] : memref<2x2x128xi32, #tpu.memory_space<vmem>> -> memref<1x1x128xi32, #tpu.memory_space<vmem>>
        %dma_wait3A_364 = tpu.memref_squeeze %dma_wait3A_363 : memref<1x1x128xi32, #tpu.memory_space<vmem>> -> memref<128xi32, #tpu.memory_space<vmem>>
        %dma_wait3A_365 = arith.constant 0 : i32
        %dma_wait3A_366 = arith.constant 0 : i32
        %dma_wait3A_367 = tpu.memref_slice %arg12[%dma_wait3A_365, %dma_wait3A_366] : memref<10240x128xf32, #tpu.memory_space<vmem_shared>> -> memref<10240x128xf32, #tpu.memory_space<vmem_shared>>
        tpu.wait_indirect_dma semaphore(%arg16 : memref<!tpu.dma_semaphore, #tpu.memory_space<semaphore_mem>>) src(%arg10 : memref<128x128xf32, #tpu.memory_space<vmem>>) dst(%dma_wait3A_367 : memref<10240x128xf32, #tpu.memory_space<vmem_shared>>)
      } else {
      }
      %dma_start3A_49 = arith.constant 1 : i32
      %dma_start3A_50 = arith.constant 0 : i32
      %dma_start3A_51 = arith.constant 0 : i32
      %dma_start3A_52 = tpu.memref_slice %arg7[%dma_start3A_49, %dma_start3A_50, %dma_start3A_51] : memref<2x2x128xi32, #tpu.memory_space<vmem>> -> memref<1x1x128xi32, #tpu.memory_space<vmem>>
      %dma_start3A_53 = tpu.memref_squeeze %dma_start3A_52 : memref<1x1x128xi32, #tpu.memory_space<vmem>> -> memref<128xi32, #tpu.memory_space<vmem>>
      %dma_start3A_54 = arith.constant 0 : i32
      %dma_start3A_55 = arith.constant 0 : i32
      %dma_start3A_56 = tpu.memref_slice %arg2[%dma_start3A_54, %dma_start3A_55] : memref<10000x128xf32, #tpu.memory_space<hbm>> -> memref<10000x128xf32, #tpu.memory_space<hbm>>
      tpu.enqueue_indirect_dma source(%dma_start3A_56 : memref<10000x128xf32, #tpu.memory_space<hbm>>) target(%arg10 : memref<128x128xf32, #tpu.memory_space<vmem>>) offsets(%dma_start3A_53 : memref<128xi32, #tpu.memory_space<vmem>>) semaphore(%arg14 : memref<!tpu.dma_semaphore, #tpu.memory_space<semaphore_mem>>)
      %dma_wait3A_57 = arith.constant 0 : i32
      %dma_wait3A_58 = arith.constant 0 : i32
      %dma_wait3A_59 = arith.constant 0 : i32
      %dma_wait3A_60 = tpu.memref_slice %arg7[%dma_wait3A_57, %dma_wait3A_58, %dma_wait3A_59] : memref<2x2x128xi32, #tpu.memory_space<vmem>> -> memref<1x1x128xi32, #tpu.memory_space<vmem>>
      %dma_wait3A_61 = tpu.memref_squeeze %dma_wait3A_60 : memref<1x1x128xi32, #tpu.memory_space<vmem>> -> memref<128xi32, #tpu.memory_space<vmem>>
      %dma_wait3A_62 = arith.constant 0 : i32
      %dma_wait3A_63 = arith.constant 0 : i32
      %dma_wait3A_64 = tpu.memref_slice %arg2[%dma_wait3A_62, %dma_wait3A_63] : memref<10000x128xf32, #tpu.memory_space<hbm>> -> memref<10000x128xf32, #tpu.memory_space<hbm>>
      tpu.wait_indirect_dma semaphore(%arg13 : memref<!tpu.dma_semaphore, #tpu.memory_space<semaphore_mem>>) src(%dma_wait3A_64 : memref<10000x128xf32, #tpu.memory_space<hbm>>) dst(%arg9 : memref<128x128xf32, #tpu.memory_space<vmem>>)
      %broadcast_in_dim3A = arith.constant 1.000000e+00 : f32
      %broadcast_in_dim3A_65 = vector.broadcast %broadcast_in_dim3A : f32 to vector<16xf32>
      %get3A = arith.constant 0 : i32
      %get3A_66 = arith.constant 1 : i32
      %get3A_67 = arith.index_cast %get3A : i32 to index
      %get3A_68 = arith.index_cast %get3A_66 : i32 to index
      %get3A_69 = arith.constant 0 : index
      %get3A_70 = tpu.vector_load %arg7[%get3A_67, %get3A_68, %get3A_69] {strides = array<i32>} : memref<2x2x128xi32, #tpu.memory_space<vmem>>, vector<16xi32>,
      tpu.vector_store_idx %arg11[%get3A_70], %broadcast_in_dim3A_65 {add = true} : memref<10240xf32, #tpu.memory_space<vmem>>[vector<16xi32>], vector<16xf32>,
      %get3A_71 = arith.constant 0 : i32
      %get3A_72 = arith.constant 1 : i32
      %get3A_73 = arith.index_cast %get3A_71 : i32 to index
      %get3A_74 = arith.index_cast %get3A_72 : i32 to index
      %get3A_75 = arith.constant 16 : index
      %get3A_76 = tpu.vector_load %arg7[%get3A_73, %get3A_74, %get3A_75] {strides = array<i32>} : memref<2x2x128xi32, #tpu.memory_space<vmem>>, vector<16xi32>,
      tpu.vector_store_idx %arg11[%get3A_76], %broadcast_in_dim3A_65 {add = true} : memref<10240xf32, #tpu.memory_space<vmem>>[vector<16xi32>], vector<16xf32>,
      %get3A_77 = arith.constant 0 : i32
      %get3A_78 = arith.constant 1 : i32
      %get3A_79 = arith.index_cast %get3A_77 : i32 to index
      %get3A_80 = arith.index_cast %get3A_78 : i32 to index
      %get3A_81 = arith.constant 32 : index
      %get3A_82 = tpu.vector_load %arg7[%get3A_79, %get3A_80, %get3A_81] {strides = array<i32>} : memref<2x2x128xi32, #tpu.memory_space<vmem>>, vector<16xi32>,
      tpu.vector_store_idx %arg11[%get3A_82], %broadcast_in_dim3A_65 {add = true} : memref<10240xf32, #tpu.memory_space<vmem>>[vector<16xi32>], vector<16xf32>,
      %get3A_83 = arith.constant 0 : i32
      %get3A_84 = arith.constant 1 : i32
      %get3A_85 = arith.index_cast %get3A_83 : i32 to index
      %get3A_86 = arith.index_cast %get3A_84 : i32 to index
      %get3A_87 = arith.constant 48 : index
      %get3A_88 = tpu.vector_load %arg7[%get3A_85, %get3A_86, %get3A_87] {strides = array<i32>} : memref<2x2x128xi32, #tpu.memory_space<vmem>>, vector<16xi32>,
      tpu.vector_store_idx %arg11[%get3A_88], %broadcast_in_dim3A_65 {add = true} : memref<10240xf32, #tpu.memory_space<vmem>>[vector<16xi32>], vector<16xf32>,
      %get3A_89 = arith.constant 0 : i32
      %get3A_90 = arith.constant 1 : i32
      %get3A_91 = arith.index_cast %get3A_89 : i32 to index
      %get3A_92 = arith.index_cast %get3A_90 : i32 to index
      %get3A_93 = arith.constant 64 : index
      %get3A_94 = tpu.vector_load %arg7[%get3A_91, %get3A_92, %get3A_93] {strides = array<i32>} : memref<2x2x128xi32, #tpu.memory_space<vmem>>, vector<16xi32>,
      tpu.vector_store_idx %arg11[%get3A_94], %broadcast_in_dim3A_65 {add = true} : memref<10240xf32, #tpu.memory_space<vmem>>[vector<16xi32>], vector<16xf32>,
      %get3A_95 = arith.constant 0 : i32
      %get3A_96 = arith.constant 1 : i32
      %get3A_97 = arith.index_cast %get3A_95 : i32 to index
      %get3A_98 = arith.index_cast %get3A_96 : i32 to index
      %get3A_99 = arith.constant 80 : index
      %get3A_100 = tpu.vector_load %arg7[%get3A_97, %get3A_98, %get3A_99] {strides = array<i32>} : memref<2x2x128xi32, #tpu.memory_space<vmem>>, vector<16xi32>,
      tpu.vector_store_idx %arg11[%get3A_100], %broadcast_in_dim3A_65 {add = true} : memref<10240xf32, #tpu.memory_space<vmem>>[vector<16xi32>], vector<16xf32>,
      %get3A_101 = arith.constant 0 : i32
      %get3A_102 = arith.constant 1 : i32
      %get3A_103 = arith.index_cast %get3A_101 : i32 to index
      %get3A_104 = arith.index_cast %get3A_102 : i32 to index
      %get3A_105 = arith.constant 96 : index
      %get3A_106 = tpu.vector_load %arg7[%get3A_103, %get3A_104, %get3A_105] {strides = array<i32>} : memref<2x2x128xi32, #tpu.memory_space<vmem>>, vector<16xi32>,
      tpu.vector_store_idx %arg11[%get3A_106], %broadcast_in_dim3A_65 {add = true} : memref<10240xf32, #tpu.memory_space<vmem>>[vector<16xi32>], vector<16xf32>,
      %get3A_107 = arith.constant 0 : i32
      %get3A_108 = arith.constant 1 : i32
      %get3A_109 = arith.index_cast %get3A_107 : i32 to index
      %get3A_110 = arith.index_cast %get3A_108 : i32 to index
      %get3A_111 = arith.constant 112 : index
      %get3A_112 = tpu.vector_load %arg7[%get3A_109, %get3A_110, %get3A_111] {strides = array<i32>} : memref<2x2x128xi32, #tpu.memory_space<vmem>>, vector<16xi32>,
      tpu.vector_store_idx %arg11[%get3A_112], %broadcast_in_dim3A_65 {add = true} : memref<10240xf32, #tpu.memory_space<vmem>>[vector<16xi32>], vector<16xf32>,
      %dma_start3A_113 = arith.constant 0 : i32
      %dma_start3A_114 = arith.constant 1 : i32
      %dma_start3A_115 = arith.constant 0 : i32
      %dma_start3A_116 = tpu.memref_slice %arg7[%dma_start3A_113, %dma_start3A_114, %dma_start3A_115] : memref<2x2x128xi32, #tpu.memory_space<vmem>> -> memref<1x1x128xi32, #tpu.memory_space<vmem>>
      %dma_start3A_117 = tpu.memref_squeeze %dma_start3A_116 : memref<1x1x128xi32, #tpu.memory_space<vmem>> -> memref<128xi32, #tpu.memory_space<vmem>>
      %dma_start3A_118 = arith.constant 0 : i32
      %dma_start3A_119 = arith.constant 0 : i32
      %dma_start3A_120 = tpu.memref_slice %arg12[%dma_start3A_118, %dma_start3A_119] : memref<10240x128xf32, #tpu.memory_space<vmem_shared>> -> memref<10240x128xf32, #tpu.memory_space<vmem_shared>>
      tpu.enqueue_indirect_dma source(%arg9 : memref<128x128xf32, #tpu.memory_space<vmem>>) target(%dma_start3A_120 : memref<10240x128xf32, #tpu.memory_space<vmem_shared>>) offsets(%dma_start3A_117 : memref<128xi32, #tpu.memory_space<vmem>>) semaphore(%arg15 : memref<!tpu.dma_semaphore, #tpu.memory_space<semaphore_mem>>) {add = true}
      %mul3A_121 = arith.constant 4 : i32
      %mul3A_122 = arith.muli %mul3A_121, %scan3A_46 : i32
      %add3A_123 = arith.addi %select_n3A, %mul3A_122 : i32
      %add3A_124 = arith.constant 2 : i32
      %add3A_125 = arith.addi %add3A_123, %add3A_124 : i32
      "tpu.region"() ({
        %run_scoped3A = tpu.sem_alloc : memref<!tpu.dma_semaphore, #tpu.memory_space<semaphore_mem>>
        %dma_start3A_360 = arith.constant 0 : i32
        %dma_start3A_361 = arith.constant 0 : i32
        %dma_start3A_362 = tpu.memref_slice %arg3[%add3A_125, %dma_start3A_360, %dma_start3A_361] : memref<2560x2x128xi32, #tpu.memory_space<hbm>> -> memref<2x2x128xi32, #tpu.memory_space<hbm>>
        %dma_start3A_363 = arith.constant 0 : i32
        %dma_start3A_364 = arith.constant 0 : i32
        %dma_start3A_365 = tpu.memref_slice %arg3[%add3A_125, %dma_start3A_363, %dma_start3A_364] : memref<2560x2x128xi32, #tpu.memory_space<hbm>> -> memref<2x2x128xi32, #tpu.memory_space<hbm>>
        tpu.enqueue_dma source(%dma_start3A_365 : memref<2x2x128xi32, #tpu.memory_space<hbm>>) target(%arg8 : memref<2x2x128xi32, #tpu.memory_space<vmem>>) target_semaphore(%run_scoped3A : memref<!tpu.dma_semaphore, #tpu.memory_space<semaphore_mem>>)
        %dma_wait3A_366 = arith.constant 0 : i32
        %dma_wait3A_367 = arith.constant 0 : i32
        %dma_wait3A_368 = tpu.memref_slice %arg3[%add3A_125, %dma_wait3A_366, %dma_wait3A_367] : memref<2560x2x128xi32, #tpu.memory_space<hbm>> -> memref<2x2x128xi32, #tpu.memory_space<hbm>>
        %dma_wait3A_369 = arith.constant 0 : i32
        %dma_wait3A_370 = arith.constant 0 : i32
        %dma_wait3A_371 = tpu.memref_slice %arg3[%add3A_125, %dma_wait3A_369, %dma_wait3A_370] : memref<2560x2x128xi32, #tpu.memory_space<hbm>> -> memref<2x2x128xi32, #tpu.memory_space<hbm>>
        tpu.wait_dma2 semaphore(%run_scoped3A : memref<!tpu.dma_semaphore, #tpu.memory_space<semaphore_mem>>) src(%dma_wait3A_371 : memref<2x2x128xi32, #tpu.memory_space<hbm>>) dst(%arg8 : memref<2x2x128xi32, #tpu.memory_space<vmem>>)
        tpu.yield
      }) : () -> ()
      %dma_wait3A_126 = arith.constant 0 : i32
      %dma_wait3A_127 = arith.constant 1 : i32
      %dma_wait3A_128 = arith.constant 0 : i32
      %dma_wait3A_129 = tpu.memref_slice %arg7[%dma_wait3A_126, %dma_wait3A_127, %dma_wait3A_128] : memref<2x2x128xi32, #tpu.memory_space<vmem>> -> memref<1x1x128xi32, #tpu.memory_space<vmem>>
      %dma_wait3A_130 = tpu.memref_squeeze %dma_wait3A_129 : memref<1x1x128xi32, #tpu.memory_space<vmem>> -> memref<128xi32, #tpu.memory_space<vmem>>
      %dma_wait3A_131 = arith.constant 0 : i32
      %dma_wait3A_132 = arith.constant 0 : i32
      %dma_wait3A_133 = tpu.memref_slice %arg12[%dma_wait3A_131, %dma_wait3A_132] : memref<10240x128xf32, #tpu.memory_space<vmem_shared>> -> memref<10240x128xf32, #tpu.memory_space<vmem_shared>>
      tpu.wait_indirect_dma semaphore(%arg15 : memref<!tpu.dma_semaphore, #tpu.memory_space<semaphore_mem>>) src(%arg9 : memref<128x128xf32, #tpu.memory_space<vmem>>) dst(%dma_wait3A_133 : memref<10240x128xf32, #tpu.memory_space<vmem_shared>>)
      %dma_start3A_134 = arith.constant 0 : i32
      %dma_start3A_135 = arith.constant 0 : i32
      %dma_start3A_136 = arith.constant 0 : i32
      %dma_start3A_137 = tpu.memref_slice %arg8[%dma_start3A_134, %dma_start3A_135, %dma_start3A_136] : memref<2x2x128xi32, #tpu.memory_space<vmem>> -> memref<1x1x128xi32, #tpu.memory_space<vmem>>
      %dma_start3A_138 = tpu.memref_squeeze %dma_start3A_137 : memref<1x1x128xi32, #tpu.memory_space<vmem>> -> memref<128xi32, #tpu.memory_space<vmem>>
      %dma_start3A_139 = arith.constant 0 : i32
      %dma_start3A_140 = arith.constant 0 : i32
      %dma_start3A_141 = tpu.memref_slice %arg2[%dma_start3A_139, %dma_start3A_140] : memref<10000x128xf32, #tpu.memory_space<hbm>> -> memref<10000x128xf32, #tpu.memory_space<hbm>>
      tpu.enqueue_indirect_dma source(%dma_start3A_141 : memref<10000x128xf32, #tpu.memory_space<hbm>>) target(%arg9 : memref<128x128xf32, #tpu.memory_space<vmem>>) offsets(%dma_start3A_138 : memref<128xi32, #tpu.memory_space<vmem>>) semaphore(%arg13 : memref<!tpu.dma_semaphore, #tpu.memory_space<semaphore_mem>>)
      %dma_wait3A_142 = arith.constant 0 : i32
      %dma_wait3A_143 = arith.constant 0 : i32
      %dma_wait3A_144 = arith.constant 0 : i32
      %dma_wait3A_145 = tpu.memref_slice %arg7[%dma_wait3A_142, %dma_wait3A_143, %dma_wait3A_144] : memref<2x2x128xi32, #tpu.memory_space<vmem>> -> memref<1x1x128xi32, #tpu.memory_space<vmem>>
      %dma_wait3A_146 = tpu.memref_squeeze %dma_wait3A_145 : memref<1x1x128xi32, #tpu.memory_space<vmem>> -> memref<128xi32, #tpu.memory_space<vmem>>
      %dma_wait3A_147 = arith.constant 0 : i32
      %dma_wait3A_148 = arith.constant 0 : i32
      %dma_wait3A_149 = tpu.memref_slice %arg2[%dma_wait3A_147, %dma_wait3A_148] : memref<10000x128xf32, #tpu.memory_space<hbm>> -> memref<10000x128xf32, #tpu.memory_space<hbm>>
      tpu.wait_indirect_dma semaphore(%arg14 : memref<!tpu.dma_semaphore, #tpu.memory_space<semaphore_mem>>) src(%dma_wait3A_149 : memref<10000x128xf32, #tpu.memory_space<hbm>>) dst(%arg10 : memref<128x128xf32, #tpu.memory_space<vmem>>)
      %broadcast_in_dim3A_150 = arith.constant 1.000000e+00 : f32
      %broadcast_in_dim3A_151 = vector.broadcast %broadcast_in_dim3A_150 : f32 to vector<16xf32>
      %get3A_152 = arith.constant 1 : i32
      %get3A_153 = arith.constant 1 : i32
      %get3A_154 = arith.index_cast %get3A_152 : i32 to index
      %get3A_155 = arith.index_cast %get3A_153 : i32 to index
      %get3A_156 = arith.constant 0 : index
      %get3A_157 = tpu.vector_load %arg7[%get3A_154, %get3A_155, %get3A_156] {strides = array<i32>} : memref<2x2x128xi32, #tpu.memory_space<vmem>>, vector<16xi32>,
      tpu.vector_store_idx %arg11[%get3A_157], %broadcast_in_dim3A_151 {add = true} : memref<10240xf32, #tpu.memory_space<vmem>>[vector<16xi32>], vector<16xf32>,
      %get3A_158 = arith.constant 1 : i32
      %get3A_159 = arith.constant 1 : i32
      %get3A_160 = arith.index_cast %get3A_158 : i32 to index
      %get3A_161 = arith.index_cast %get3A_159 : i32 to index
      %get3A_162 = arith.constant 16 : index
      %get3A_163 = tpu.vector_load %arg7[%get3A_160, %get3A_161, %get3A_162] {strides = array<i32>} : memref<2x2x128xi32, #tpu.memory_space<vmem>>, vector<16xi32>,
      tpu.vector_store_idx %arg11[%get3A_163], %broadcast_in_dim3A_151 {add = true} : memref<10240xf32, #tpu.memory_space<vmem>>[vector<16xi32>], vector<16xf32>,
      %get3A_164 = arith.constant 1 : i32
      %get3A_165 = arith.constant 1 : i32
      %get3A_166 = arith.index_cast %get3A_164 : i32 to index
      %get3A_167 = arith.index_cast %get3A_165 : i32 to index
      %get3A_168 = arith.constant 32 : index
      %get3A_169 = tpu.vector_load %arg7[%get3A_166, %get3A_167, %get3A_168] {strides = array<i32>} : memref<2x2x128xi32, #tpu.memory_space<vmem>>, vector<16xi32>,
      tpu.vector_store_idx %arg11[%get3A_169], %broadcast_in_dim3A_151 {add = true} : memref<10240xf32, #tpu.memory_space<vmem>>[vector<16xi32>], vector<16xf32>,
      %get3A_170 = arith.constant 1 : i32
      %get3A_171 = arith.constant 1 : i32
      %get3A_172 = arith.index_cast %get3A_170 : i32 to index
      %get3A_173 = arith.index_cast %get3A_171 : i32 to index
      %get3A_174 = arith.constant 48 : index
      %get3A_175 = tpu.vector_load %arg7[%get3A_172, %get3A_173, %get3A_174] {strides = array<i32>} : memref<2x2x128xi32, #tpu.memory_space<vmem>>, vector<16xi32>,
      tpu.vector_store_idx %arg11[%get3A_175], %broadcast_in_dim3A_151 {add = true} : memref<10240xf32, #tpu.memory_space<vmem>>[vector<16xi32>], vector<16xf32>,
      %get3A_176 = arith.constant 1 : i32
      %get3A_177 = arith.constant 1 : i32
      %get3A_178 = arith.index_cast %get3A_176 : i32 to index
      %get3A_179 = arith.index_cast %get3A_177 : i32 to index
      %get3A_180 = arith.constant 64 : index
      %get3A_181 = tpu.vector_load %arg7[%get3A_178, %get3A_179, %get3A_180] {strides = array<i32>} : memref<2x2x128xi32, #tpu.memory_space<vmem>>, vector<16xi32>,
      tpu.vector_store_idx %arg11[%get3A_181], %broadcast_in_dim3A_151 {add = true} : memref<10240xf32, #tpu.memory_space<vmem>>[vector<16xi32>], vector<16xf32>,
      %get3A_182 = arith.constant 1 : i32
      %get3A_183 = arith.constant 1 : i32
      %get3A_184 = arith.index_cast %get3A_182 : i32 to index
      %get3A_185 = arith.index_cast %get3A_183 : i32 to index
      %get3A_186 = arith.constant 80 : index
      %get3A_187 = tpu.vector_load %arg7[%get3A_184, %get3A_185, %get3A_186] {strides = array<i32>} : memref<2x2x128xi32, #tpu.memory_space<vmem>>, vector<16xi32>,
      tpu.vector_store_idx %arg11[%get3A_187], %broadcast_in_dim3A_151 {add = true} : memref<10240xf32, #tpu.memory_space<vmem>>[vector<16xi32>], vector<16xf32>,
      %get3A_188 = arith.constant 1 : i32
      %get3A_189 = arith.constant 1 : i32
      %get3A_190 = arith.index_cast %get3A_188 : i32 to index
      %get3A_191 = arith.index_cast %get3A_189 : i32 to index
      %get3A_192 = arith.constant 96 : index
      %get3A_193 = tpu.vector_load %arg7[%get3A_190, %get3A_191, %get3A_192] {strides = array<i32>} : memref<2x2x128xi32, #tpu.memory_space<vmem>>, vector<16xi32>,
      tpu.vector_store_idx %arg11[%get3A_193], %broadcast_in_dim3A_151 {add = true} : memref<10240xf32, #tpu.memory_space<vmem>>[vector<16xi32>], vector<16xf32>,
      %get3A_194 = arith.constant 1 : i32
      %get3A_195 = arith.constant 1 : i32
      %get3A_196 = arith.index_cast %get3A_194 : i32 to index
      %get3A_197 = arith.index_cast %get3A_195 : i32 to index
      %get3A_198 = arith.constant 112 : index
      %get3A_199 = tpu.vector_load %arg7[%get3A_196, %get3A_197, %get3A_198] {strides = array<i32>} : memref<2x2x128xi32, #tpu.memory_space<vmem>>, vector<16xi32>,
      tpu.vector_store_idx %arg11[%get3A_199], %broadcast_in_dim3A_151 {add = true} : memref<10240xf32, #tpu.memory_space<vmem>>[vector<16xi32>], vector<16xf32>,
      %dma_start3A_200 = arith.constant 1 : i32
      %dma_start3A_201 = arith.constant 1 : i32
      %dma_start3A_202 = arith.constant 0 : i32
      %dma_start3A_203 = tpu.memref_slice %arg7[%dma_start3A_200, %dma_start3A_201, %dma_start3A_202] : memref<2x2x128xi32, #tpu.memory_space<vmem>> -> memref<1x1x128xi32, #tpu.memory_space<vmem>>
      %dma_start3A_204 = tpu.memref_squeeze %dma_start3A_203 : memref<1x1x128xi32, #tpu.memory_space<vmem>> -> memref<128xi32, #tpu.memory_space<vmem>>
      %dma_start3A_205 = arith.constant 0 : i32
      %dma_start3A_206 = arith.constant 0 : i32
      %dma_start3A_207 = tpu.memref_slice %arg12[%dma_start3A_205, %dma_start3A_206] : memref<10240x128xf32, #tpu.memory_space<vmem_shared>> -> memref<10240x128xf32, #tpu.memory_space<vmem_shared>>
      tpu.enqueue_indirect_dma source(%arg10 : memref<128x128xf32, #tpu.memory_space<vmem>>) target(%dma_start3A_207 : memref<10240x128xf32, #tpu.memory_space<vmem_shared>>) offsets(%dma_start3A_204 : memref<128xi32, #tpu.memory_space<vmem>>) semaphore(%arg16 : memref<!tpu.dma_semaphore, #tpu.memory_space<semaphore_mem>>) {add = true}
      %dma_wait3A_208 = arith.constant 0 : i32
      %dma_wait3A_209 = arith.constant 1 : i32
      %dma_wait3A_210 = arith.constant 0 : i32
      %dma_wait3A_211 = tpu.memref_slice %arg7[%dma_wait3A_208, %dma_wait3A_209, %dma_wait3A_210] : memref<2x2x128xi32, #tpu.memory_space<vmem>> -> memref<1x1x128xi32, #tpu.memory_space<vmem>>
      %dma_wait3A_212 = tpu.memref_squeeze %dma_wait3A_211 : memref<1x1x128xi32, #tpu.memory_space<vmem>> -> memref<128xi32, #tpu.memory_space<vmem>>
      %dma_wait3A_213 = arith.constant 0 : i32
      %dma_wait3A_214 = arith.constant 0 : i32
      %dma_wait3A_215 = tpu.memref_slice %arg12[%dma_wait3A_213, %dma_wait3A_214] : memref<10240x128xf32, #tpu.memory_space<vmem_shared>> -> memref<10240x128xf32, #tpu.memory_space<vmem_shared>>
      tpu.wait_indirect_dma semaphore(%arg16 : memref<!tpu.dma_semaphore, #tpu.memory_space<semaphore_mem>>) src(%arg10 : memref<128x128xf32, #tpu.memory_space<vmem>>) dst(%dma_wait3A_215 : memref<10240x128xf32, #tpu.memory_space<vmem_shared>>)
      %dma_start3A_216 = arith.constant 1 : i32
      %dma_start3A_217 = arith.constant 0 : i32
      %dma_start3A_218 = arith.constant 0 : i32
      %dma_start3A_219 = tpu.memref_slice %arg8[%dma_start3A_216, %dma_start3A_217, %dma_start3A_218] : memref<2x2x128xi32, #tpu.memory_space<vmem>> -> memref<1x1x128xi32, #tpu.memory_space<vmem>>
      %dma_start3A_220 = tpu.memref_squeeze %dma_start3A_219 : memref<1x1x128xi32, #tpu.memory_space<vmem>> -> memref<128xi32, #tpu.memory_space<vmem>>
      %dma_start3A_221 = arith.constant 0 : i32
      %dma_start3A_222 = arith.constant 0 : i32
      %dma_start3A_223 = tpu.memref_slice %arg2[%dma_start3A_221, %dma_start3A_222] : memref<10000x128xf32, #tpu.memory_space<hbm>> -> memref<10000x128xf32, #tpu.memory_space<hbm>>
      tpu.enqueue_indirect_dma source(%dma_start3A_223 : memref<10000x128xf32, #tpu.memory_space<hbm>>) target(%arg10 : memref<128x128xf32, #tpu.memory_space<vmem>>) offsets(%dma_start3A_220 : memref<128xi32, #tpu.memory_space<vmem>>) semaphore(%arg14 : memref<!tpu.dma_semaphore, #tpu.memory_space<semaphore_mem>>)
      %dma_wait3A_224 = arith.constant 0 : i32
      %dma_wait3A_225 = arith.constant 0 : i32
      %dma_wait3A_226 = arith.constant 0 : i32
      %dma_wait3A_227 = tpu.memref_slice %arg7[%dma_wait3A_224, %dma_wait3A_225, %dma_wait3A_226] : memref<2x2x128xi32, #tpu.memory_space<vmem>> -> memref<1x1x128xi32, #tpu.memory_space<vmem>>
      %dma_wait3A_228 = tpu.memref_squeeze %dma_wait3A_227 : memref<1x1x128xi32, #tpu.memory_space<vmem>> -> memref<128xi32, #tpu.memory_space<vmem>>
      %dma_wait3A_229 = arith.constant 0 : i32
      %dma_wait3A_230 = arith.constant 0 : i32
      %dma_wait3A_231 = tpu.memref_slice %arg2[%dma_wait3A_229, %dma_wait3A_230] : memref<10000x128xf32, #tpu.memory_space<hbm>> -> memref<10000x128xf32, #tpu.memory_space<hbm>>
      tpu.wait_indirect_dma semaphore(%arg13 : memref<!tpu.dma_semaphore, #tpu.memory_space<semaphore_mem>>) src(%dma_wait3A_231 : memref<10000x128xf32, #tpu.memory_space<hbm>>) dst(%arg9 : memref<128x128xf32, #tpu.memory_space<vmem>>)
      %broadcast_in_dim3A_232 = arith.constant 1.000000e+00 : f32
      %broadcast_in_dim3A_233 = vector.broadcast %broadcast_in_dim3A_232 : f32 to vector<16xf32>
      %get3A_234 = arith.constant 0 : i32
      %get3A_235 = arith.constant 1 : i32
      %get3A_236 = arith.index_cast %get3A_234 : i32 to index
      %get3A_237 = arith.index_cast %get3A_235 : i32 to index
      %get3A_238 = arith.constant 0 : index
      %get3A_239 = tpu.vector_load %arg8[%get3A_236, %get3A_237, %get3A_238] {strides = array<i32>} : memref<2x2x128xi32, #tpu.memory_space<vmem>>, vector<16xi32>,
      tpu.vector_store_idx %arg11[%get3A_239], %broadcast_in_dim3A_233 {add = true} : memref<10240xf32, #tpu.memory_space<vmem>>[vector<16xi32>], vector<16xf32>,
      %get3A_240 = arith.constant 0 : i32
      %get3A_241 = arith.constant 1 : i32
      %get3A_242 = arith.index_cast %get3A_240 : i32 to index
      %get3A_243 = arith.index_cast %get3A_241 : i32 to index
      %get3A_244 = arith.constant 16 : index
      %get3A_245 = tpu.vector_load %arg8[%get3A_242, %get3A_243, %get3A_244] {strides = array<i32>} : memref<2x2x128xi32, #tpu.memory_space<vmem>>, vector<16xi32>,
      tpu.vector_store_idx %arg11[%get3A_245], %broadcast_in_dim3A_233 {add = true} : memref<10240xf32, #tpu.memory_space<vmem>>[vector<16xi32>], vector<16xf32>,
      %get3A_246 = arith.constant 0 : i32
      %get3A_247 = arith.constant 1 : i32
      %get3A_248 = arith.index_cast %get3A_246 : i32 to index
      %get3A_249 = arith.index_cast %get3A_247 : i32 to index
      %get3A_250 = arith.constant 32 : index
      %get3A_251 = tpu.vector_load %arg8[%get3A_248, %get3A_249, %get3A_250] {strides = array<i32>} : memref<2x2x128xi32, #tpu.memory_space<vmem>>, vector<16xi32>,
      tpu.vector_store_idx %arg11[%get3A_251], %broadcast_in_dim3A_233 {add = true} : memref<10240xf32, #tpu.memory_space<vmem>>[vector<16xi32>], vector<16xf32>,
      %get3A_252 = arith.constant 0 : i32
      %get3A_253 = arith.constant 1 : i32
      %get3A_254 = arith.index_cast %get3A_252 : i32 to index
      %get3A_255 = arith.index_cast %get3A_253 : i32 to index
      %get3A_256 = arith.constant 48 : index
      %get3A_257 = tpu.vector_load %arg8[%get3A_254, %get3A_255, %get3A_256] {strides = array<i32>} : memref<2x2x128xi32, #tpu.memory_space<vmem>>, vector<16xi32>,
      tpu.vector_store_idx %arg11[%get3A_257], %broadcast_in_dim3A_233 {add = true} : memref<10240xf32, #tpu.memory_space<vmem>>[vector<16xi32>], vector<16xf32>,
      %get3A_258 = arith.constant 0 : i32
      %get3A_259 = arith.constant 1 : i32
      %get3A_260 = arith.index_cast %get3A_258 : i32 to index
      %get3A_261 = arith.index_cast %get3A_259 : i32 to index
      %get3A_262 = arith.constant 64 : index
      %get3A_263 = tpu.vector_load %arg8[%get3A_260, %get3A_261, %get3A_262] {strides = array<i32>} : memref<2x2x128xi32, #tpu.memory_space<vmem>>, vector<16xi32>,
      tpu.vector_store_idx %arg11[%get3A_263], %broadcast_in_dim3A_233 {add = true} : memref<10240xf32, #tpu.memory_space<vmem>>[vector<16xi32>], vector<16xf32>,
      %get3A_264 = arith.constant 0 : i32
      %get3A_265 = arith.constant 1 : i32
      %get3A_266 = arith.index_cast %get3A_264 : i32 to index
      %get3A_267 = arith.index_cast %get3A_265 : i32 to index
      %get3A_268 = arith.constant 80 : index
      %get3A_269 = tpu.vector_load %arg8[%get3A_266, %get3A_267, %get3A_268] {strides = array<i32>} : memref<2x2x128xi32, #tpu.memory_space<vmem>>, vector<16xi32>,
      tpu.vector_store_idx %arg11[%get3A_269], %broadcast_in_dim3A_233 {add = true} : memref<10240xf32, #tpu.memory_space<vmem>>[vector<16xi32>], vector<16xf32>,
      %get3A_270 = arith.constant 0 : i32
      %get3A_271 = arith.constant 1 : i32
      %get3A_272 = arith.index_cast %get3A_270 : i32 to index
      %get3A_273 = arith.index_cast %get3A_271 : i32 to index
      %get3A_274 = arith.constant 96 : index
      %get3A_275 = tpu.vector_load %arg8[%get3A_272, %get3A_273, %get3A_274] {strides = array<i32>} : memref<2x2x128xi32, #tpu.memory_space<vmem>>, vector<16xi32>,
      tpu.vector_store_idx %arg11[%get3A_275], %broadcast_in_dim3A_233 {add = true} : memref<10240xf32, #tpu.memory_space<vmem>>[vector<16xi32>], vector<16xf32>,
      %get3A_276 = arith.constant 0 : i32
      %get3A_277 = arith.constant 1 : i32
      %get3A_278 = arith.index_cast %get3A_276 : i32 to index
      %get3A_279 = arith.index_cast %get3A_277 : i32 to index
      %get3A_280 = arith.constant 112 : index
      %get3A_281 = tpu.vector_load %arg8[%get3A_278, %get3A_279, %get3A_280] {strides = array<i32>} : memref<2x2x128xi32, #tpu.memory_space<vmem>>, vector<16xi32>,
      tpu.vector_store_idx %arg11[%get3A_281], %broadcast_in_dim3A_233 {add = true} : memref<10240xf32, #tpu.memory_space<vmem>>[vector<16xi32>], vector<16xf32>,
      %dma_start3A_282 = arith.constant 0 : i32
      %dma_start3A_283 = arith.constant 1 : i32
      %dma_start3A_284 = arith.constant 0 : i32
      %dma_start3A_285 = tpu.memref_slice %arg8[%dma_start3A_282, %dma_start3A_283, %dma_start3A_284] : memref<2x2x128xi32, #tpu.memory_space<vmem>> -> memref<1x1x128xi32, #tpu.memory_space<vmem>>
      %dma_start3A_286 = tpu.memref_squeeze %dma_start3A_285 : memref<1x1x128xi32, #tpu.memory_space<vmem>> -> memref<128xi32, #tpu.memory_space<vmem>>
      %dma_start3A_287 = arith.constant 0 : i32
      %dma_start3A_288 = arith.constant 0 : i32
      %dma_start3A_289 = tpu.memref_slice %arg12[%dma_start3A_287, %dma_start3A_288] : memref<10240x128xf32, #tpu.memory_space<vmem_shared>> -> memref<10240x128xf32, #tpu.memory_space<vmem_shared>>
      tpu.enqueue_indirect_dma source(%arg9 : memref<128x128xf32, #tpu.memory_space<vmem>>) target(%dma_start3A_289 : memref<10240x128xf32, #tpu.memory_space<vmem_shared>>) offsets(%dma_start3A_286 : memref<128xi32, #tpu.memory_space<vmem>>) semaphore(%arg15 : memref<!tpu.dma_semaphore, #tpu.memory_space<semaphore_mem>>) {add = true}
      %lt3A = arith.constant 19 : i32
      %lt3A_290 = arith.cmpi slt, %scan3A_46, %lt3A : i32
      %convert_element_type3A_291 = arith.extui %lt3A_290 : i1 to i32
      %cond3A_292 = arith.constant 0 : i32
      %cond3A_293 = arith.cmpi ne, %convert_element_type3A_291, %cond3A_292 : i32
      scf.if %cond3A_293 {
        %dma_wait3A_360 = arith.constant 0 : i32
        %dma_wait3A_361 = arith.constant 1 : i32
        %dma_wait3A_362 = arith.constant 0 : i32
        %dma_wait3A_363 = tpu.memref_slice %arg7[%dma_wait3A_360, %dma_wait3A_361, %dma_wait3A_362] : memref<2x2x128xi32, #tpu.memory_space<vmem>> -> memref<1x1x128xi32, #tpu.memory_space<vmem>>
        %dma_wait3A_364 = tpu.memref_squeeze %dma_wait3A_363 : memref<1x1x128xi32, #tpu.memory_space<vmem>> -> memref<128xi32, #tpu.memory_space<vmem>>
        %dma_wait3A_365 = arith.constant 0 : i32
        %dma_wait3A_366 = arith.constant 0 : i32
        %dma_wait3A_367 = tpu.memref_slice %arg12[%dma_wait3A_365, %dma_wait3A_366] : memref<10240x128xf32, #tpu.memory_space<vmem_shared>> -> memref<10240x128xf32, #tpu.memory_space<vmem_shared>>
        tpu.wait_indirect_dma semaphore(%arg15 : memref<!tpu.dma_semaphore, #tpu.memory_space<semaphore_mem>>) src(%arg9 : memref<128x128xf32, #tpu.memory_space<vmem>>) dst(%dma_wait3A_367 : memref<10240x128xf32, #tpu.memory_space<vmem_shared>>)
        %mul3A_368 = arith.constant 4 : i32
        %mul3A_369 = arith.muli %mul3A_368, %scan3A_46 : i32
        %add3A_370 = arith.addi %select_n3A, %mul3A_369 : i32
        %add3A_371 = arith.constant 4 : i32
        %add3A_372 = arith.addi %add3A_370, %add3A_371 : i32
        "tpu.region"() ({
          %run_scoped3A = tpu.sem_alloc : memref<!tpu.dma_semaphore, #tpu.memory_space<semaphore_mem>>
          %dma_start3A_381 = arith.constant 0 : i32
          %dma_start3A_382 = arith.constant 0 : i32
          %dma_start3A_383 = tpu.memref_slice %arg3[%add3A_372, %dma_start3A_381, %dma_start3A_382] : memref<2560x2x128xi32, #tpu.memory_space<hbm>> -> memref<2x2x128xi32, #tpu.memory_space<hbm>>
          %dma_start3A_384 = arith.constant 0 : i32
          %dma_start3A_385 = arith.constant 0 : i32
          %dma_start3A_386 = tpu.memref_slice %arg3[%add3A_372, %dma_start3A_384, %dma_start3A_385] : memref<2560x2x128xi32, #tpu.memory_space<hbm>> -> memref<2x2x128xi32, #tpu.memory_space<hbm>>
          tpu.enqueue_dma source(%dma_start3A_386 : memref<2x2x128xi32, #tpu.memory_space<hbm>>) target(%arg7 : memref<2x2x128xi32, #tpu.memory_space<vmem>>) target_semaphore(%run_scoped3A : memref<!tpu.dma_semaphore, #tpu.memory_space<semaphore_mem>>)
          %dma_wait3A_387 = arith.constant 0 : i32
          %dma_wait3A_388 = arith.constant 0 : i32
          %dma_wait3A_389 = tpu.memref_slice %arg3[%add3A_372, %dma_wait3A_387, %dma_wait3A_388] : memref<2560x2x128xi32, #tpu.memory_space<hbm>> -> memref<2x2x128xi32, #tpu.memory_space<hbm>>
          %dma_wait3A_390 = arith.constant 0 : i32
          %dma_wait3A_391 = arith.constant 0 : i32
          %dma_wait3A_392 = tpu.memref_slice %arg3[%add3A_372, %dma_wait3A_390, %dma_wait3A_391] : memref<2560x2x128xi32, #tpu.memory_space<hbm>> -> memref<2x2x128xi32, #tpu.memory_space<hbm>>
          tpu.wait_dma2 semaphore(%run_scoped3A : memref<!tpu.dma_semaphore, #tpu.memory_space<semaphore_mem>>) src(%dma_wait3A_392 : memref<2x2x128xi32, #tpu.memory_space<hbm>>) dst(%arg7 : memref<2x2x128xi32, #tpu.memory_space<vmem>>)
          tpu.yield
        }) : () -> ()
        %dma_start3A_373 = arith.constant 0 : i32
        %dma_start3A_374 = arith.constant 0 : i32
        %dma_start3A_375 = arith.constant 0 : i32
        %dma_start3A_376 = tpu.memref_slice %arg7[%dma_start3A_373, %dma_start3A_374, %dma_start3A_375] : memref<2x2x128xi32, #tpu.memory_space<vmem>> -> memref<1x1x128xi32, #tpu.memory_space<vmem>>
        %dma_start3A_377 = tpu.memref_squeeze %dma_start3A_376 : memref<1x1x128xi32, #tpu.memory_space<vmem>> -> memref<128xi32, #tpu.memory_space<vmem>>
        %dma_start3A_378 = arith.constant 0 : i32
        %dma_start3A_379 = arith.constant 0 : i32
        %dma_start3A_380 = tpu.memref_slice %arg2[%dma_start3A_378, %dma_start3A_379] : memref<10000x128xf32, #tpu.memory_space<hbm>> -> memref<10000x128xf32, #tpu.memory_space<hbm>>
        tpu.enqueue_indirect_dma source(%dma_start3A_380 : memref<10000x128xf32, #tpu.memory_space<hbm>>) target(%arg9 : memref<128x128xf32, #tpu.memory_space<vmem>>) offsets(%dma_start3A_377 : memref<128xi32, #tpu.memory_space<vmem>>) semaphore(%arg13 : memref<!tpu.dma_semaphore, #tpu.memory_space<semaphore_mem>>)
      } else {
      }
      %dma_wait3A_294 = arith.constant 0 : i32
      %dma_wait3A_295 = arith.constant 0 : i32
      %dma_wait3A_296 = arith.constant 0 : i32
      %dma_wait3A_297 = tpu.memref_slice %arg7[%dma_wait3A_294, %dma_wait3A_295, %dma_wait3A_296] : memref<2x2x128xi32, #tpu.memory_space<vmem>> -> memref<1x1x128xi32, #tpu.memory_space<vmem>>
      %dma_wait3A_298 = tpu.memref_squeeze %dma_wait3A_297 : memref<1x1x128xi32, #tpu.memory_space<vmem>> -> memref<128xi32, #tpu.memory_space<vmem>>
      %dma_wait3A_299 = arith.constant 0 : i32
      %dma_wait3A_300 = arith.constant 0 : i32
      %dma_wait3A_301 = tpu.memref_slice %arg2[%dma_wait3A_299, %dma_wait3A_300] : memref<10000x128xf32, #tpu.memory_space<hbm>> -> memref<10000x128xf32, #tpu.memory_space<hbm>>
      tpu.wait_indirect_dma semaphore(%arg14 : memref<!tpu.dma_semaphore, #tpu.memory_space<semaphore_mem>>) src(%dma_wait3A_301 : memref<10000x128xf32, #tpu.memory_space<hbm>>) dst(%arg10 : memref<128x128xf32, #tpu.memory_space<vmem>>)
      %broadcast_in_dim3A_302 = arith.constant 1.000000e+00 : f32
      %broadcast_in_dim3A_303 = vector.broadcast %broadcast_in_dim3A_302 : f32 to vector<16xf32>
      %get3A_304 = arith.constant 1 : i32
      %get3A_305 = arith.constant 1 : i32
      %get3A_306 = arith.index_cast %get3A_304 : i32 to index
      %get3A_307 = arith.index_cast %get3A_305 : i32 to index
      %get3A_308 = arith.constant 0 : index
      %get3A_309 = tpu.vector_load %arg8[%get3A_306, %get3A_307, %get3A_308] {strides = array<i32>} : memref<2x2x128xi32, #tpu.memory_space<vmem>>, vector<16xi32>,
      tpu.vector_store_idx %arg11[%get3A_309], %broadcast_in_dim3A_303 {add = true} : memref<10240xf32, #tpu.memory_space<vmem>>[vector<16xi32>], vector<16xf32>,
      %get3A_310 = arith.constant 1 : i32
      %get3A_311 = arith.constant 1 : i32
      %get3A_312 = arith.index_cast %get3A_310 : i32 to index
      %get3A_313 = arith.index_cast %get3A_311 : i32 to index
      %get3A_314 = arith.constant 16 : index
      %get3A_315 = tpu.vector_load %arg8[%get3A_312, %get3A_313, %get3A_314] {strides = array<i32>} : memref<2x2x128xi32, #tpu.memory_space<vmem>>, vector<16xi32>,
      tpu.vector_store_idx %arg11[%get3A_315], %broadcast_in_dim3A_303 {add = true} : memref<10240xf32, #tpu.memory_space<vmem>>[vector<16xi32>], vector<16xf32>,
      %get3A_316 = arith.constant 1 : i32
      %get3A_317 = arith.constant 1 : i32
      %get3A_318 = arith.index_cast %get3A_316 : i32 to index
      %get3A_319 = arith.index_cast %get3A_317 : i32 to index
      %get3A_320 = arith.constant 32 : index
      %get3A_321 = tpu.vector_load %arg8[%get3A_318, %get3A_319, %get3A_320] {strides = array<i32>} : memref<2x2x128xi32, #tpu.memory_space<vmem>>, vector<16xi32>,
      tpu.vector_store_idx %arg11[%get3A_321], %broadcast_in_dim3A_303 {add = true} : memref<10240xf32, #tpu.memory_space<vmem>>[vector<16xi32>], vector<16xf32>,
      %get3A_322 = arith.constant 1 : i32
      %get3A_323 = arith.constant 1 : i32
      %get3A_324 = arith.index_cast %get3A_322 : i32 to index
      %get3A_325 = arith.index_cast %get3A_323 : i32 to index
      %get3A_326 = arith.constant 48 : index
      %get3A_327 = tpu.vector_load %arg8[%get3A_324, %get3A_325, %get3A_326] {strides = array<i32>} : memref<2x2x128xi32, #tpu.memory_space<vmem>>, vector<16xi32>,
      tpu.vector_store_idx %arg11[%get3A_327], %broadcast_in_dim3A_303 {add = true} : memref<10240xf32, #tpu.memory_space<vmem>>[vector<16xi32>], vector<16xf32>,
      %get3A_328 = arith.constant 1 : i32
      %get3A_329 = arith.constant 1 : i32
      %get3A_330 = arith.index_cast %get3A_328 : i32 to index
      %get3A_331 = arith.index_cast %get3A_329 : i32 to index
      %get3A_332 = arith.constant 64 : index
      %get3A_333 = tpu.vector_load %arg8[%get3A_330, %get3A_331, %get3A_332] {strides = array<i32>} : memref<2x2x128xi32, #tpu.memory_space<vmem>>, vector<16xi32>,
      tpu.vector_store_idx %arg11[%get3A_333], %broadcast_in_dim3A_303 {add = true} : memref<10240xf32, #tpu.memory_space<vmem>>[vector<16xi32>], vector<16xf32>,
      %get3A_334 = arith.constant 1 : i32
      %get3A_335 = arith.constant 1 : i32
      %get3A_336 = arith.index_cast %get3A_334 : i32 to index
      %get3A_337 = arith.index_cast %get3A_335 : i32 to index
      %get3A_338 = arith.constant 80 : index
      %get3A_339 = tpu.vector_load %arg8[%get3A_336, %get3A_337, %get3A_338] {strides = array<i32>} : memref<2x2x128xi32, #tpu.memory_space<vmem>>, vector<16xi32>,
      tpu.vector_store_idx %arg11[%get3A_339], %broadcast_in_dim3A_303 {add = true} : memref<10240xf32, #tpu.memory_space<vmem>>[vector<16xi32>], vector<16xf32>,
      %get3A_340 = arith.constant 1 : i32
      %get3A_341 = arith.constant 1 : i32
      %get3A_342 = arith.index_cast %get3A_340 : i32 to index
      %get3A_343 = arith.index_cast %get3A_341 : i32 to index
      %get3A_344 = arith.constant 96 : index
      %get3A_345 = tpu.vector_load %arg8[%get3A_342, %get3A_343, %get3A_344] {strides = array<i32>} : memref<2x2x128xi32, #tpu.memory_space<vmem>>, vector<16xi32>,
      tpu.vector_store_idx %arg11[%get3A_345], %broadcast_in_dim3A_303 {add = true} : memref<10240xf32, #tpu.memory_space<vmem>>[vector<16xi32>], vector<16xf32>,
      %get3A_346 = arith.constant 1 : i32
      %get3A_347 = arith.constant 1 : i32
      %get3A_348 = arith.index_cast %get3A_346 : i32 to index
      %get3A_349 = arith.index_cast %get3A_347 : i32 to index
      %get3A_350 = arith.constant 112 : index
      %get3A_351 = tpu.vector_load %arg8[%get3A_348, %get3A_349, %get3A_350] {strides = array<i32>} : memref<2x2x128xi32, #tpu.memory_space<vmem>>, vector<16xi32>,
      tpu.vector_store_idx %arg11[%get3A_351], %broadcast_in_dim3A_303 {add = true} : memref<10240xf32, #tpu.memory_space<vmem>>[vector<16xi32>], vector<16xf32>,
      %dma_start3A_352 = arith.constant 1 : i32
      %dma_start3A_353 = arith.constant 1 : i32
      %dma_start3A_354 = arith.constant 0 : i32
      %dma_start3A_355 = tpu.memref_slice %arg8[%dma_start3A_352, %dma_start3A_353, %dma_start3A_354] : memref<2x2x128xi32, #tpu.memory_space<vmem>> -> memref<1x1x128xi32, #tpu.memory_space<vmem>>
      %dma_start3A_356 = tpu.memref_squeeze %dma_start3A_355 : memref<1x1x128xi32, #tpu.memory_space<vmem>> -> memref<128xi32, #tpu.memory_space<vmem>>
      %dma_start3A_357 = arith.constant 0 : i32
      %dma_start3A_358 = arith.constant 0 : i32
      %dma_start3A_359 = tpu.memref_slice %arg12[%dma_start3A_357, %dma_start3A_358] : memref<10240x128xf32, #tpu.memory_space<vmem_shared>> -> memref<10240x128xf32, #tpu.memory_space<vmem_shared>>
      tpu.enqueue_indirect_dma source(%arg10 : memref<128x128xf32, #tpu.memory_space<vmem>>) target(%dma_start3A_359 : memref<10240x128xf32, #tpu.memory_space<vmem_shared>>) offsets(%dma_start3A_356 : memref<128xi32, #tpu.memory_space<vmem>>) semaphore(%arg16 : memref<!tpu.dma_semaphore, #tpu.memory_space<semaphore_mem>>) {add = true}
    }
    %scan3A_27 = arith.constant 20 : i32
    %dma_wait3A = arith.constant 0 : i32
    %dma_wait3A_28 = arith.constant 1 : i32
    %dma_wait3A_29 = arith.constant 0 : i32
    %dma_wait3A_30 = tpu.memref_slice %arg7[%dma_wait3A, %dma_wait3A_28, %dma_wait3A_29] : memref<2x2x128xi32, #tpu.memory_space<vmem>> -> memref<1x1x128xi32, #tpu.memory_space<vmem>>
    %dma_wait3A_31 = tpu.memref_squeeze %dma_wait3A_30 : memref<1x1x128xi32, #tpu.memory_space<vmem>> -> memref<128xi32, #tpu.memory_space<vmem>>
    %dma_wait3A_32 = arith.constant 0 : i32
    %dma_wait3A_33 = arith.constant 0 : i32
    %dma_wait3A_34 = tpu.memref_slice %arg12[%dma_wait3A_32, %dma_wait3A_33] : memref<10240x128xf32, #tpu.memory_space<vmem_shared>> -> memref<10240x128xf32, #tpu.memory_space<vmem_shared>>
    tpu.wait_indirect_dma semaphore(%arg15 : memref<!tpu.dma_semaphore, #tpu.memory_space<semaphore_mem>>) src(%arg9 : memref<128x128xf32, #tpu.memory_space<vmem>>) dst(%dma_wait3A_34 : memref<10240x128xf32, #tpu.memory_space<vmem_shared>>)
    %dma_wait3A_35 = arith.constant 0 : i32
    %dma_wait3A_36 = arith.constant 1 : i32
    %dma_wait3A_37 = arith.constant 0 : i32
    %dma_wait3A_38 = tpu.memref_slice %arg7[%dma_wait3A_35, %dma_wait3A_36, %dma_wait3A_37] : memref<2x2x128xi32, #tpu.memory_space<vmem>> -> memref<1x1x128xi32, #tpu.memory_space<vmem>>
    %dma_wait3A_39 = tpu.memref_squeeze %dma_wait3A_38 : memref<1x1x128xi32, #tpu.memory_space<vmem>> -> memref<128xi32, #tpu.memory_space<vmem>>
    %dma_wait3A_40 = arith.constant 0 : i32
    %dma_wait3A_41 = arith.constant 0 : i32
    %dma_wait3A_42 = tpu.memref_slice %arg12[%dma_wait3A_40, %dma_wait3A_41] : memref<10240x128xf32, #tpu.memory_space<vmem_shared>> -> memref<10240x128xf32, #tpu.memory_space<vmem_shared>>
    tpu.wait_indirect_dma semaphore(%arg16 : memref<!tpu.dma_semaphore, #tpu.memory_space<semaphore_mem>>) src(%arg10 : memref<128x128xf32, #tpu.memory_space<vmem>>) dst(%dma_wait3A_42 : memref<10240x128xf32, #tpu.memory_space<vmem_shared>>)
    %barrier3A_43 = arith.constant 0 : index
    tpu.barrier barrier_id(%barrier3A_43)
    "tpu.region"() ({
      %run_scoped3A = tpu.sem_alloc : memref<!tpu.dma_semaphore, #tpu.memory_space<semaphore_mem>>
      %dma_start3A_46 = arith.constant 0 : i32
      %dma_start3A_47 = tpu.memref_slice %arg5[%arg0, %mul3A_2, %dma_start3A_46] : memref<2x10240x128xf32, #tpu.memory_space<hbm>> -> memref<1x640x128xf32, #tpu.memory_space<hbm>>
      %dma_start3A_48 = tpu.memref_squeeze %dma_start3A_47 : memref<1x640x128xf32, #tpu.memory_space<hbm>> -> memref<640x128xf32, #tpu.memory_space<hbm>>
      %dma_start3A_49 = arith.constant 0 : i32
      %dma_start3A_50 = tpu.memref_slice %arg12[%mul3A_2, %dma_start3A_49] : memref<10240x128xf32, #tpu.memory_space<vmem_shared>> -> memref<640x128xf32, #tpu.memory_space<vmem_shared>>
      tpu.enqueue_dma source(%dma_start3A_50 : memref<640x128xf32, #tpu.memory_space<vmem_shared>>) target(%dma_start3A_48 : memref<640x128xf32, #tpu.memory_space<hbm>>) target_semaphore(%run_scoped3A : memref<!tpu.dma_semaphore, #tpu.memory_space<semaphore_mem>>)
      %dma_wait3A_51 = arith.constant 0 : i32
      %dma_wait3A_52 = tpu.memref_slice %arg5[%arg0, %mul3A_2, %dma_wait3A_51] : memref<2x10240x128xf32, #tpu.memory_space<hbm>> -> memref<1x640x128xf32, #tpu.memory_space<hbm>>
      %dma_wait3A_53 = tpu.memref_squeeze %dma_wait3A_52 : memref<1x640x128xf32, #tpu.memory_space<hbm>> -> memref<640x128xf32, #tpu.memory_space<hbm>>
      %dma_wait3A_54 = arith.constant 0 : i32
      %dma_wait3A_55 = tpu.memref_slice %arg12[%mul3A_2, %dma_wait3A_54] : memref<10240x128xf32, #tpu.memory_space<vmem_shared>> -> memref<640x128xf32, #tpu.memory_space<vmem_shared>>
      tpu.wait_dma2 semaphore(%run_scoped3A : memref<!tpu.dma_semaphore, #tpu.memory_space<semaphore_mem>>) src(%dma_wait3A_55 : memref<640x128xf32, #tpu.memory_space<vmem_shared>>) dst(%dma_wait3A_53 : memref<640x128xf32, #tpu.memory_space<hbm>>)
      tpu.yield
    }) : () -> ()
    %mul3A_44 = arith.constant 10240 : i32
    %mul3A_45 = arith.muli %add3A, %mul3A_44 : i32
    "tpu.region"() ({
      %run_scoped3A = tpu.sem_alloc : memref<!tpu.dma_semaphore, #tpu.memory_space<semaphore_mem>>
      %dma_start3A_46 = tpu.memref_slice %arg6[%mul3A_45] : memref<327680xf32, #tpu.memory_space<hbm>> -> memref<10240xf32, #tpu.memory_space<hbm>>
      %dma_start3A_47 = tpu.memref_slice %arg6[%mul3A_45] : memref<327680xf32, #tpu.memory_space<hbm>> -> memref<10240xf32, #tpu.memory_space<hbm>>
      tpu.enqueue_dma source(%arg11 : memref<10240xf32, #tpu.memory_space<vmem>>) target(%dma_start3A_47 : memref<10240xf32, #tpu.memory_space<hbm>>) target_semaphore(%run_scoped3A : memref<!tpu.dma_semaphore, #tpu.memory_space<semaphore_mem>>)
      %dma_wait3A_48 = tpu.memref_slice %arg6[%mul3A_45] : memref<327680xf32, #tpu.memory_space<hbm>> -> memref<10240xf32, #tpu.memory_space<hbm>>
      %dma_wait3A_49 = tpu.memref_slice %arg6[%mul3A_45] : memref<327680xf32, #tpu.memory_space<hbm>> -> memref<10240xf32, #tpu.memory_space<hbm>>
      tpu.wait_dma2 semaphore(%run_scoped3A : memref<!tpu.dma_semaphore, #tpu.memory_space<semaphore_mem>>) src(%arg11 : memref<10240xf32, #tpu.memory_space<vmem>>) dst(%dma_wait3A_49 : memref<10240xf32, #tpu.memory_space<hbm>>)
      tpu.yield
    }) : () -> ()
    return
  }
}

module attributes {stable_mosaic.version = 14 : i64} {
  func.func @_tc_combine_body(%arg0: i32, %arg1: memref<2048x128xf32, #tpu.memory_space<vmem>>, %arg2: memref<2048x128xf32, #tpu.memory_space<vmem>>, %arg3: memref<2x2048x128xf32, #tpu.memory_space<vmem>>, %arg4: memref<32x2048xf32, #tpu.memory_space<vmem>>, %arg5: memref<128x128xf32, #tpu.memory_space<vmem>>, %arg6: memref<2048x128xf32, #tpu.memory_space<vmem>>) attributes {dimension_semantics = [#tpu.dimension_semantics<arbitrary>], iteration_bounds = array<i64: 5>, scalar_prefetch = 0 : i64, scratch_operands = 0 : i64, tpu.core_type = #tpu.core_type<tc>, window_params = [{transform_indices = @transform_0, window_bounds = array<i64: 2048, 128>}, {transform_indices = @transform_1, window_bounds = array<i64: 2048, 128>}, {transform_indices = @transform_2, window_bounds = array<i64: 2, 2048, 128>}, {transform_indices = @transform_3, window_bounds = array<i64: 32, 2048>}, {pipeline_mode = #tpu.pipeline_mode<synchronous>, transform_indices = @transform_4, window_bounds = array<i64: 128, 128>}, {transform_indices = @transform_5, window_bounds = array<i64: 2048, 128>}]} {
    %get3A = arith.constant 0 : index
    %get3A_0 = arith.constant 0 : index
    %get3A_1 = vector.load %arg4[%get3A, %get3A_0] : memref<32x2048xf32, #tpu.memory_space<vmem>>, vector<32x2048xf32>
    %broadcast_in_dim3A = arith.constant 1.000000e+00 : f32
    %broadcast_in_dim3A_2 = vector.broadcast %broadcast_in_dim3A : f32 to vector<32x1xf32>
    %dot_general3A = arith.constant dense<0.000000e+00> : vector<2048x1xf32>
    %dot_general3A_3 = tpu.matmul %get3A_1, %broadcast_in_dim3A_2, %dot_general3A {dimension_numbers = #tpu.dot_dimension_numbers<[0], [0], [1], [1], [0, 1, 1, 1], [], []>, transpose_lhs_hint = false} : vector<32x2048xf32>, vector<32x1xf32>, vector<2048x1xf32> -> vector<2048x1xf32>
    %add3A = arith.constant 1.000000e+00 : f32
    %add3A_4 = vector.broadcast %add3A : f32 to vector<2048x1xf32>
    %add3A_5 = arith.addf %dot_general3A_3, %add3A_4 : vector<2048x1xf32>
    %get3A_6 = arith.constant 0 : index
    %get3A_7 = arith.constant 0 : index
    %get3A_8 = arith.constant 0 : index
    %get3A_9 = vector.load %arg3[%get3A_6, %get3A_7, %get3A_8] : memref<2x2048x128xf32, #tpu.memory_space<vmem>>, vector<1x2048x128xf32>
    %get3A_10 = vector.shape_cast %get3A_9 : vector<1x2048x128xf32> to vector<2048x128xf32>
    %get3A_11 = arith.constant 1 : index
    %get3A_12 = arith.constant 0 : index
    %get3A_13 = arith.constant 0 : index
    %get3A_14 = vector.load %arg3[%get3A_11, %get3A_12, %get3A_13] : memref<2x2048x128xf32, #tpu.memory_space<vmem>>, vector<1x2048x128xf32>
    %get3A_15 = vector.shape_cast %get3A_14 : vector<1x2048x128xf32> to vector<2048x128xf32>
    %add3A_16 = arith.addf %get3A_10, %get3A_15 : vector<2048x128xf32>
    %get3A_17 = arith.constant 0 : index
    %get3A_18 = arith.constant 0 : index
    %get3A_19 = vector.load %arg1[%get3A_17, %get3A_18] : memref<2048x128xf32, #tpu.memory_space<vmem>>, vector<2048x128xf32>
    %add3A_20 = arith.addf %add3A_16, %get3A_19 : vector<2048x128xf32>
    %div3A = vector.broadcast %add3A_5 : vector<2048x1xf32> to vector<2048x128xf32>
    %div3A_21 = arith.divf %add3A_20, %div3A : vector<2048x128xf32>
    %get3A_22 = arith.constant 0 : index
    %get3A_23 = arith.constant 0 : index
    %get3A_24 = vector.load %arg2[%get3A_22, %get3A_23] : memref<2048x128xf32, #tpu.memory_space<vmem>>, vector<2048x128xf32>
    %get3A_25 = arith.constant 0 : index
    %get3A_26 = arith.constant 0 : index
    %get3A_27 = vector.load %arg5[%get3A_25, %get3A_26] : memref<128x128xf32, #tpu.memory_space<vmem>>, vector<128x128xf32>
    %dot_general3A_28 = arith.constant dense<0.000000e+00> : vector<2048x128xf32>
    %dot_general3A_29 = tpu.matmul %div3A_21, %get3A_27, %dot_general3A_28 {dimension_numbers = #tpu.dot_dimension_numbers<[1], [0], [0], [1], [0, 0, 1, 1], [], []>, transpose_lhs_hint = false} : vector<2048x128xf32>, vector<128x128xf32>, vector<2048x128xf32> -> vector<2048x128xf32>
    %add3A_30 = arith.addf %get3A_24, %dot_general3A_29 : vector<2048x128xf32>
    %swap3A = arith.constant 0 : index
    %swap3A_31 = arith.constant 0 : index
    %swap3A_32 = vector.load %arg6[%swap3A, %swap3A_31] : memref<2048x128xf32, #tpu.memory_space<vmem>>, vector<2048x128xf32>
    tpu.vector_store %arg6[%swap3A, %swap3A_31], %add3A_30 {strides = array<i32>} : memref<2048x128xf32, #tpu.memory_space<vmem>>, vector<2048x128xf32>,
    return
  }
  func.func @transform_0(%arg0: i32) -> (i32, i32) {
    %c0_i32 = arith.constant 0 : i32
    %c0_i32_0 = arith.constant 0 : i32
    return %arg0, %c0_i32 : i32, i32
  }
  func.func @transform_1(%arg0: i32) -> (i32, i32) {
    %c0_i32 = arith.constant 0 : i32
    %c0_i32_0 = arith.constant 0 : i32
    return %arg0, %c0_i32 : i32, i32
  }
  func.func @transform_2(%arg0: i32) -> (i32, i32, i32) {
    %c0_i32 = arith.constant 0 : i32
    %c0_i32_0 = arith.constant 0 : i32
    %c0_i32_1 = arith.constant 0 : i32
    return %c0_i32, %arg0, %c0_i32_0 : i32, i32, i32
  }
  func.func @transform_3(%arg0: i32) -> (i32, i32) {
    %c0_i32 = arith.constant 0 : i32
    %c0_i32_0 = arith.constant 0 : i32
    return %c0_i32, %arg0 : i32, i32
  }
  func.func @transform_4(%arg0: i32) -> (i32, i32) {
    %c0_i32 = arith.constant 0 : i32
    %c0_i32_0 = arith.constant 0 : i32
    %c0_i32_1 = arith.constant 0 : i32
    return %c0_i32, %c0_i32_0 : i32, i32
  }
  func.func @transform_5(%arg0: i32) -> (i32, i32) {
    %c0_i32 = arith.constant 0 : i32
    %c0_i32_0 = arith.constant 0 : i32
    return %arg0, %c0_i32 : i32, i32
  }
}

module attributes {stable_mosaic.version = 14 : i64} {
  func.func @_tc_pre_body(%arg0: i32, %arg1: memref<2048x128xf32, #tpu.memory_space<vmem>>, %arg2: memref<128x128xf32, #tpu.memory_space<vmem>>, %arg3: memref<1x128xf32, #tpu.memory_space<vmem>>, %arg4: memref<2048x128xf32, #tpu.memory_space<vmem>>) attributes {dimension_semantics = [#tpu.dimension_semantics<arbitrary>], iteration_bounds = array<i64: 5>, scalar_prefetch = 0 : i64, scratch_operands = 0 : i64, tpu.core_type = #tpu.core_type<tc>, window_params = [{transform_indices = @transform_0, window_bounds = array<i64: 2048, 128>}, {pipeline_mode = #tpu.pipeline_mode<synchronous>, transform_indices = @transform_1, window_bounds = array<i64: 128, 128>}, {pipeline_mode = #tpu.pipeline_mode<synchronous>, transform_indices = @transform_2, window_bounds = array<i64: 1, 128>}, {transform_indices = @transform_3, window_bounds = array<i64: 2048, 128>}]} {
    %get3A = arith.constant 0 : index
    %get3A_0 = arith.constant 0 : index
    %get3A_1 = vector.load %arg1[%get3A, %get3A_0] : memref<2048x128xf32, #tpu.memory_space<vmem>>, vector<2048x128xf32>
    %get3A_2 = arith.constant 0 : index
    %get3A_3 = arith.constant 0 : index
    %get3A_4 = vector.load %arg2[%get3A_2, %get3A_3] : memref<128x128xf32, #tpu.memory_space<vmem>>, vector<128x128xf32>
    %dot_general3A = arith.constant dense<0.000000e+00> : vector<2048x128xf32>
    %dot_general3A_5 = tpu.matmul %get3A_1, %get3A_4, %dot_general3A {dimension_numbers = #tpu.dot_dimension_numbers<[1], [0], [0], [1], [0, 0, 1, 1], [], []>, transpose_lhs_hint = false} : vector<2048x128xf32>, vector<128x128xf32>, vector<2048x128xf32> -> vector<2048x128xf32>
    %get3A_6 = arith.constant 0 : index
    %get3A_7 = arith.constant 0 : index
    %get3A_8 = vector.load %arg3[%get3A_6, %get3A_7] : memref<1x128xf32, #tpu.memory_space<vmem>>, vector<1x128xf32>
    %add3A = vector.broadcast %get3A_8 : vector<1x128xf32> to vector<2048x128xf32>
    %add3A_9 = arith.addf %dot_general3A_5, %add3A : vector<2048x128xf32>
    %swap3A = arith.constant 0 : index
    %swap3A_10 = arith.constant 0 : index
    %swap3A_11 = vector.load %arg4[%swap3A, %swap3A_10] : memref<2048x128xf32, #tpu.memory_space<vmem>>, vector<2048x128xf32>
    tpu.vector_store %arg4[%swap3A, %swap3A_10], %add3A_9 {strides = array<i32>} : memref<2048x128xf32, #tpu.memory_space<vmem>>, vector<2048x128xf32>,
    return
  }
  func.func @transform_0(%arg0: i32) -> (i32, i32) {
    %c0_i32 = arith.constant 0 : i32
    %c0_i32_0 = arith.constant 0 : i32
    return %arg0, %c0_i32 : i32, i32
  }
  func.func @transform_1(%arg0: i32) -> (i32, i32) {
    %c0_i32 = arith.constant 0 : i32
    %c0_i32_0 = arith.constant 0 : i32
    %c0_i32_1 = arith.constant 0 : i32
    return %c0_i32, %c0_i32_0 : i32, i32
  }
  func.func @transform_2(%arg0: i32) -> (i32, i32) {
    %c0_i32 = arith.constant 0 : i32
    %c0_i32_0 = arith.constant 0 : i32
    %c0_i32_1 = arith.constant 0 : i32
    return %c0_i32, %c0_i32_0 : i32, i32
  }
  func.func @transform_3(%arg0: i32) -> (i32, i32) {
    %c0_i32 = arith.constant 0 : i32
    %c0_i32_0 = arith.constant 0 : i32
    return %arg0, %c0_i32 : i32, i32
  }
}

</mosaic_0001>

<sc_bundles>
// kernel: kernel.5.cloned.1.call-start
scs
__scs_entry_jumppad:
0x0: {  	(pc) =	sbr.rel $0x88, $3  }
0x1: {  	(tag) =	ssettag $0x0;
	lr =	simm.s32 $0x1  }
0x2: {  	[smem:$0x3F9C] =	sst lr;
	_ =	strace $0xD0000000  }
0x3: {  	_ = 	snop  }
0x4: {  	_ = 	snop  }
0x5: {  	_ = 	snop  }
0x6: {  	_ = 	snop  }
0x7: {  	_ = 	snop  }
__scs_overlays_trampoline_lowered:
0x8: {  	[smem:$0x3FAB] =	sst s0  }
0x9: {  	[smem:$0x3FAC] =	sst s1  }
0xa: {  	[smem:$0x3FAD] =	sst s2  }
0xb: {  	[smem:$0x3FAE] =	sst s3  }
0xc: {  	[smem:$0x3FAF] =	sst s4  }
0xd: {  	[smem:$0x3FB0] =	sst s5  }
0xe: {  	[smem:$0x3FB1] =	sst s6  }
0xf: {  	[smem:$0x3FB2] =	sst s7  }
0x10: {  	[smem:$0x3FB3] =	sst s8  }
0x11: {  	[smem:$0x3FB4] =	sst s9;
	s0 =	simm.s32 @!p0 $0x0  }
0x12: {  	s1 =	sld [smem:$0x3F9A];
	s0 =	simm.s32 @p0 $0x1  }
0x13: {  	[smem:$0x3FB5] =	sst s0;
	s0 =	simm.s32 @!p1 $0x0  }
0x14: {  	s2 =	sld [smem:$0x3F99];
	s0 =	simm.s32 @p1 $0x1  }
0x15: {  	[smem:$0x3FB6] =	sst s0;
	s0 =	simm.s32 @!p2 $0x0  }
0x16: {  	s3 =	sld [smem:$0x3FDB];
	s0 =	simm.s32 @p2 $0x1  }
0x17: {  	s4 =	simm.s32 $0x1BF5;
	[smem:$0x3FB8] =	sst s0  }
0x18: {  	s0 =	sld [smem:$0x3F9B];
	_ =	swait.ge [sflag:s4], $0x0  }
0x19: {  	s7 =	sld [smem:$0x3F9C]  }
0x1a: {  	s8 =	sadd.s32 $0xFFFFE003, lr  }
0x1b: {  	s9 =	sadd.s32 $0xFFFFFEF7, lr;
	s5 =	simm.s32 $0xFFFFFFFF;
	p2 =	slt.u32 s8, $0xFFFFF086  }
0x1c: {  	p1 =	slt.u32 s9, $0xF7A;
	s5 =	simm.s32 @!p2 $0x0  }
0x1d: {  	s5 =	simm.s32 @p1 $0x1;
	p0 =	seq.s32 s7, s2  }
0x1e: {  	s7 =	smul.u32 @!p0 $0xF7A, s2;
	p2 =	seq.s32 @!p0 s5, $0x0  }
0x1f: {  	s9 =	smul.u32 $0xF7A, s1;
	s8 =	simm.s32 @!p0 $0x1BF5;
	p2 =	por !p2, p0  }
0x20: {  	[sflag:s8] =	ssyncset.s32 @!p0 $0xFFFFF086;
	s6 =	sadd.s32 @!p0 s3, s7;
	s7 =	simm.s32 @!p0 $0x108  }
0x21: {  	s3 =	sadd.s32 s3, s9;
	s6 =	sadd.s32 @!p0 $0x88, s6;
	s7 =	simm.s32 @p2 $0x1082  }
0x22: {  	[simem:s7], [sflag:s8] =	dma.local @!p0 [hbm:s6], $0xF7A  }
0x23: {  	s9 =	sor.u32 $0xD0000000, s2;
	s6 =	simm.s32 $0x108;
	_ =	swait.ge @!p0 [sflag:s8], $0x0  }
0x24: {  	s3 =	sadd.s32 $0x88, s3;
	s6 =	simm.s32 @!p1 $0x1082;
	[sflag:s4] =	ssyncset.s32 $0xFFFFF086  }
0x25: {  	[simem:s6], [sflag:s4] =	dma.local [hbm:s3], $0xF7A  }
0x26: {  	[smem:$0x3F9C] =	sst s1;
	(tag) =	ssettag s2;
	_ =	strace s9  }
0x27: {  	s1 =	sld [smem:$0x3FAC]  }
0x28: {  	s2 =	sld [smem:$0x3FAD]  }
0x29: {  	s4 =	sld [smem:$0x3FAF]  }
0x2a: {  	p0 =	seq.s32 s5, $0x0;
	s5 =	sld [smem:$0x3FB0]  }
0x2b: {  	s6 =	sld [smem:$0x3FB1]  }
0x2c: {  	s7 =	sld [smem:$0x3FB2]  }
0x2d: {  	s3 =	simm.s32 $0x108;
	s8 =	sld [smem:$0x3FB3]  }
0x2e: {  	s3 =	simm.s32 @!p0 $0x1082;
	s9 =	sld [smem:$0x3FB4]  }
0x2f: {  	lr =	sadd.s32 s0, s3;
	s0 =	sld [smem:$0x3FAB]  }
0x30: {  	s3 =	sld [smem:$0x3FAE]  }
0x31: {  	[smem:$0x3FB7] =	sst s10  }
0x32: {  	s10 =	sld [smem:$0x3FB5];
	_ =	sdelay $0x3  }
0x33: {  	p0 =	seq.s32 s10, $0x1;
	s10 =	sld [smem:$0x3FB7];
	_ =	sdelay $0x3  }
0x34: {  	[smem:$0x3FB7] =	sst s10  }
0x35: {  	s10 =	sld [smem:$0x3FB6];
	_ =	sdelay $0x3  }
0x36: {  	p1 =	seq.s32 s10, $0x1;
	s10 =	sld [smem:$0x3FB7];
	_ =	sdelay $0x3  }
0x37: {  	[smem:$0x3FB7] =	sst s10  }
0x38: {  	s10 =	sld [smem:$0x3FB8]  }
0x39: {  	_ = 	snop;
	(pc) =	sbr.ind lr, $3  }
0x3a: {  	_ = 	snop  }
0x3b: {  	_ = 	snop  }
0x3c: {  	p2 =	seq.s32 s10, $0x1;
	s10 =	sld [smem:$0x3FB7]  }
0x3d: {  	_ =	shalt  }
0x3e: {  	_ =	shalt  }
0x3f: {  	_ =	shalt  }
0x40: {  	_ =	shalt  }
0x41: {  	_ =	shalt  }
0x42: {  	_ =	shalt  }
0x43: {  	_ =	shalt  }
0x44: {  	_ =	shalt  }
0x45: {  	_ =	shalt  }
0x46: {  	_ =	shalt  }
0x47: {  	_ =	shalt  }
0x48: {  	_ =	shalt  }
0x49: {  	_ =	shalt  }
0x4a: {  	_ =	shalt  }
0x4b: {  	_ =	shalt  }
0x4c: {  	_ =	shalt  }
0x4d: {  	_ =	shalt  }
0x4e: {  	_ =	shalt  }
0x4f: {  	_ =	shalt  }
0x50: {  	_ =	shalt  }
0x51: {  	_ =	shalt  }
0x52: {  	_ =	shalt  }
0x53: {  	_ =	shalt  }
0x54: {  	_ =	shalt  }
0x55: {  	_ =	shalt  }
0x56: {  	_ =	shalt  }
0x57: {  	_ =	shalt  }
0x58: {  	_ =	shalt  }
0x59: {  	_ =	shalt  }
0x5a: {  	_ =	shalt  }
0x5b: {  	_ =	shalt  }
0x5c: {  	_ =	shalt  }
0x5d: {  	_ =	shalt  }
0x5e: {  	_ =	shalt  }
0x5f: {  	_ =	shalt  }
0x60: {  	_ =	shalt  }
0x61: {  	_ =	shalt  }
0x62: {  	_ =	shalt  }
0x63: {  	_ =	shalt  }
0x64: {  	_ =	shalt  }
0x65: {  	_ =	shalt  }
0x66: {  	_ =	shalt  }
0x67: {  	_ =	shalt  }
0x68: {  	_ =	shalt  }
0x69: {  	_ =	shalt  }
0x6a: {  	_ =	shalt  }
0x6b: {  	_ =	shalt  }
0x6c: {  	_ =	shalt  }
0x6d: {  	_ =	shalt  }
0x6e: {  	_ =	shalt  }
0x6f: {  	_ =	shalt  }
0x70: {  	_ =	shalt  }
0x71: {  	_ =	shalt  }
0x72: {  	_ =	shalt  }
0x73: {  	_ =	shalt  }
0x74: {  	_ =	shalt  }
0x75: {  	_ =	shalt  }
0x76: {  	_ =	shalt  }
0x77: {  	_ =	shalt  }
0x78: {  	_ =	shalt  }
0x79: {  	_ =	shalt  }
0x7a: {  	_ =	shalt  }
0x7b: {  	_ =	shalt  }
0x7c: {  	_ =	shalt  }
0x7d: {  	_ =	shalt  }
0x7e: {  	_ =	shalt  }
0x7f: {  	_ =	shalt  }
0x80: {  	_ =	shalt  }
0x81: {  	_ =	shalt  }
0x82: {  	_ =	shalt  }
0x83: {  	_ =	shalt  }
0x84: {  	_ =	shalt  }
0x85: {  	_ =	shalt  }
0x86: {  	_ =	shalt  }
0x87: {  	_ =	shalt  }
.Lfunc_end0:
.L_simem_size_0:
called_computation_lowered:
.L_overlay_start_0:
0x88: {  	s2 =	sld [smem:$0x3FD9]  }
0x89: {  	s3 =	sld [smem:$0x3FFE];
	_ =	sdelay $0x1  }
0x8a: {  	s1 =	srdreg.scid  }
0x8b: {  	s0 =	sand.u32 $0x1, s1  }
0x8c: {  	s17 =	sshll.u32 s0, $0xA;
	s2 =	sadd.s32 s3, s2  }
0x8d: {  	s2 =	sadd.s32 s2, s17  }
0x8e: {  	[smem:$0x3FC3] =	sst s2  }
0x8f: {  	_ = 	snop  }
0x90: {  	s2 =	sld [smem:$0x3FC9]  }
0x91: {  	s18 =	sld [smem:$0x3FD0];
	(tm) =	ssettm $0x1  }
0x92: {  	s4 =	sld [smem:$0x3FFB];
	_ =	sdelay $0x3  }
0x93: {  	_ =	strace s4  }
0x94: {  	s4 =	sld [smem:$0x3FFC];
	_ =	sdelay $0x3  }
0x95: {  	_ =	strace s4  }
0x96: {  	s4 =	sld [smem:$0x3FFD];
	_ =	sdelay $0x3  }
0x97: {  	_ =	strace s4  }
0x98: {  	_ =	strace $0x8FFFFFFF  }
0x99: {  	s19 =	sld [smem:$0x3FDB];
	_ =	sdelay $0x1  }
0x9a: {  	s5 =	simm.s32 $_scs_section_size  }
0x9b: {  	s6 =	simm.s32 $_size__tile_overlayer_lowered;
	s7 =	simm.s32 $_tile_overlayer_lowered  }
0x9c: {  	s22 =	simm.s32 $0x1BFF;
	s21 =	sshll.u32 s7, $0x1;
	s4 =	sadd.s32 s5, s19  }
0x9d: {  	s8 =	simm.s32 $0x0;
	s20 =	sshll.u32 s6, $0x1;
	s6 =	sadd.s32 s21, s4  }
0x9e: {  	[timem:s8], [sflag:s22] =	dma.local [hbm:s6], s20  }
0x9f: {  	_ =	swait.ge [sflag:s22], s20  }
0xa0: {  	s5 =	ssub.s32 $0x0, s20;
	[sflag:s22] =	ssyncset.done $0x0  }
0xa1: {  	[sflag:s22] =	ssyncadd.s32 s5;
	_ =	sdelay $0x1  }
0xa2: {  	s23 =	simm.s32 $0x1B8B  }
0xa3: {  	_ =	swait.ge [sflag:s23], $0x1  }
0xa4: {  	[sflag:s23] =	ssyncset.done $0x0  }
0xa5: {  	s25 =	simm.s32 $0x1B8E;
	s24 =	sld [smem:$0x3FFE];
	[sflag:s23] =	ssyncadd.s32 $0xFFFFFFFF  }
0xa6: {  	s26 =	simm.s32 $execute0_lowered;
	[smem:$0x3FD2] =	sst s25  }
0xa7: {  	s6 =	sshll.u32 s26, $0x1;
	_ =	strace $0x80000046;
	[dreg:$0x1] =	wrdreg $0xFFFFFFFF  }
0xa8: {  	s28 =	simm.s32 $_size_execute0_lowered;
	s4 =	sadd.s32 s4, s6;
	[dreg:$0x0] =	wrdreg $0x0  }
0xa9: {  	s6 =	sshll.u32 s28, $0x1;
	[dreg:$0x2] =	wrdreg s4  }
0xaa: {  	[dreg:$0x3] =	wrdreg s6  }
0xab: {  	[dreg:$0x4] =	wrdreg $0xC0  }
0xac: {  	_ =	task [dreg:s8], $0x5FFFF  }
0xad: {  	[dreg:$0x1] =	wrdreg $0xFFFFFFFF  }
0xae: {  	[dreg:$0x0] =	wrdreg $0x60  }
0xaf: {  	[dreg:$0x2] =	wrdreg s2  }
0xb0: {  	[dreg:$0x3] =	wrdreg s18  }
0xb1: {  	[dreg:$0x4] =	wrdreg s24  }
0xb2: {  	[dreg:$0x5] =	wrdreg $0xAC000  }
0xb3: {  	[dreg:$0x6] =	wrdreg $0x9  }
0xb4: {  	_ =	task.clear_ibuf [dreg:s8], $0x7FFFF;
	_ =	strace $0x90000046  }
0xb5: {  	s29 =	simm.s32 $0x9;
	_ =	strace $0x80000048  }
0xb6: {  	_ =	swait.ge [sflag:s29], $0x1  }
0xb7: {  	[sflag:s29] =	ssyncadd.s32 $0xFFFFFFFF  }
0xb8: {  	_ =	strace $0x90000048  }
0xb9: {  	_ =	sfence  }
0xba: {  	s30 =	sld [smem:$0x0];
	_ =	sdelay $0x2  }
0xbb: {  	s31 =	sshll.u32 s1, $0xD;
	s1 =	sshrl.u32 s1, $0x2  }
0xbc: {  	s3 =	sand.u32 $0x4000, s31;
	s1 =	sadd.s32 s1, s30  }
0xbd: {  	s0 =	sor.u32 s3, s0;
	s1 =	sshll.u32 s1, $0x11  }
0xbe: {  	s0 =	sor.u32 s1, s0  }
0xbf: {  	s0 =	sadd.s32 $0x8F2B, s0  }
0xc0: {  	[sflag:s0] =	ssyncadd.remote.s32 $0x1  }
0xc1: {  	_ =	sfence.sel $0xFFFF  }
0xc2: {  	[dreg:$0x0] =	wrdreg $0xFFFFFFFF;
	(pc) =	sbr.abs _section_cstart, $3  }
0xc3: {  	[dreg:$0x1] =	wrdreg $0xFFFFFFFF  }
0xc4: {  	_ =	task.clear_ibuf [dreg:s8], $0x2FFFF;
	_ =	strace $0x9FFFFFFF  }
0xc5: {  	(tm) =	ssettm $0x7FFFFFFF  }
tec
execute0_lowered:
.L_overlay_start_1:
0x0: {  	(tag) =	ssettag $0x1  }
0x1: {  	s1 =	rddreg [dreg:$0x0]  }
0x2: {  	s7 =	rddreg [dreg:$0x1]  }
0x3: {  	s6 =	rddreg [dreg:$0x2]  }
0x4: {  	s2 =	rddreg [dreg:$0x3];
	s3 =	srdreg.scid  }
0x5: {  	s4 =	simm.s32 $0x0;
	s15 =	simm.s32 $0x100;
	s16 =	simm.s32 $0x4400  }
0x6: {  	s17 =	simm.s32 $0x1;
	s18 =	simm.s32 $0x8400;
	s19 =	simm.s32 $0x200  }
0x7: {  	s20 =	simm.s32 $0x3;
	s21 =	simm.s32 $0x2;
	s22 =	simm.s32 $0x180  }
0x8: {  	s23 =	simm.s32 $0x4;
	s24 =	simm.s32 $0x300;
	s8 =	sand.u32 $0x1, s3  }
0x9: {  	s28 =	simm.s32 $0x0;
	s3 =	stileid.u32;
	s9 =	smul.u32 $0x140000, s8  }
0xa: {  	[smem:$0x7FF] =	sst s4;
	s10 =	smul.u32 $0x14000, s3;
	s5 =	sshll.u32 s3, $0x1  }
0xb: {  	_ =	strace $0x80000047;
	s26 =	ssub.s32 $0x2, s8;
	s12 =	smul.u32 $0x50000, s3  }
0xc: {  	s14 =	smul.u32 $0xA00, s3;
	p0 =	seq.s32 s8, $0x0;
	s30 =	sshll.u32 s3, $0x6  }
0xd: {  	s11 =	sor.u32 s8, s5;
	s5 =	sadd.s32 $0x1A00, s6;
	s13 =	sshrl.u32 s26, $0x1  }
0xe: {  	s9 =	sadd.s32 s10, s9;
	s25 =	smul.u32 $0x500, s11;
	s11 =	ssub.s32 s26, s13  }
0xf: {  	s29 =	sshrl.u32 s12, $0x2;
	s12 =	sadd.s32 $0xA000, s14;
	s13 =	simm.s32 $0x80  }
0x10: {  	s26 =	simm.s32 $0x380;
	s9 =	sshrl.u32 s9, $0x3;
	s31 =	sadd.s32 s29, s2  }
0x11: {  	s12 =	smov.u32 @p0 s14;
	s14 =	simm.s32 $0x400;
	s9 =	sadd.s32 s9, s6  }
0x12: {  	s10 =	sadd.s32 s25, s6;
	s6 =	sor.u32 $0x1C05, s30;
	s7 =	sadd.s32 s7, s12  }
0x13: {  	s12 =	simm.s32 $0x5;
	s25 =	simm.s32 $0x280;
	s8 =	sadd.s32 $0xE200, s9  }
0x14: {  	v0 =	vimm.f32 $0.0e+00;
	v1 =	vimm.f32 $1.000000000e+00;
	s9 =	sadd.s32 $0x4200, s10;
	s10 =	smax.u32 s11, $0x1;
	s11 =	sshrl.u32 s31, $0x3  }
.LBB2_1:
0x15: {  	[spmem:s11], [sflag:s6] =	dma.local [hbm:s5], $0x2800  }
0x16: {  	_ =	swait.ge [sflag:s12], $0x2800  }
0x17: {  	[sflag:s12] =	ssyncset.done $0x0  }
0x18: {  	s29 =	simm.s32 $0x40;
	s30 =	simm.s32 $0x0;
	[sflag:s12] =	ssyncadd.s32 $0xFFFFD800  }
.LBB2_2:
0x19: {  	p0 =	sne.s32 s29, $0x9FC0;
	[tilespmem:s30+$0x8400] =	vst v0;
	s30 =	smov.u32 s29;
	s29 =	sadd.s32 $0x40, s29  }
.Ltmp0:
0x1a: {  	(pc) =	sbr.rel @p0 .LBB2_2-.Ltmp0, $2  }
0x1b: {  	_ =	sdelay $0x2  }
0x1c: {  	s30 =	sshra.s32 s30, $0x2  }
0x1d: {  	[tilespmem:s30+$0x8400] =	vst v0;
	s29 =	simm.s32 $0x0  }
0x1e: {  	[tilespmem:s29], [sflag:$0x5] =	stream.linear.gather [hbm4b:s7+s29], $0x200, $0x38;
	[tilespmem:$0x1EC00] =	vst v63  }
0x1f: {  	_ =	swait.ge [sflag:s12], $0x200  }
0x20: {  	[sflag:s12] =	ssyncset.done $0x0  }
0x21: {  	[sflag:s12] =	ssyncadd.s32 $0xFFFFFE00  }
0x22: {  	[tilespmem:s14], [sflag:$0x1] =	stream.indirect.gather [hbm4b:s1+s13], $0x80, s29, s13, $0xb8;
	[tilespmem:$0x1EC00] =	vst v63  }
0x23: {  	[bflag:$0x0] =	sbarrier.arrive $0xFFFF  }
.LBB2_4:
0x24: {  	p0 =	seq.s32 s29, $0x0  }
0x25: {  	s30 =	simm.s32 @!p0 $0x4  }
0x26: {  	_ =	swait.ge @!p0 [sflag:s30], $0x4000  }
0x27: {  	[sflag:s30] =	ssyncset.done @!p0 $0x0  }
0x28: {  	[sflag:s30] =	ssyncadd.s32 @!p0 $0xFFFFC000  }
0x29: {  	[tilespmem:s16], [sflag:$0x2] =	stream.indirect.gather [hbm4b:s1+s13], $0x80, s15, s13, $0xb8;
	[tilespmem:$0x1EC00] =	vst v63  }
0x2a: {  	_ =	swait.ge [sflag:s17], $0x4000  }
0x2b: {  	[sflag:s17] =	ssyncset.done $0x0  }
0x2c: {  	[sflag:s17] =	ssyncadd.s32 $0xFFFFC000  }
0x2d: {  	v2 =	vld [tilespmem:$0x80];
	_ =	sdelay $0x7  }
0x2e: {  	[tilespmem:v2+s18+$0x0] =	vst.idx.add.f32.msk $0xffff, v1  }
0x2f: {  	v2 =	vld [tilespmem:$0x90];
	_ =	sdelay $0x7  }
0x30: {  	[tilespmem:v2+s18+$0x0] =	vst.idx.add.f32.msk $0xffff, v1  }
0x31: {  	v2 =	vld [tilespmem:$0xA0];
	_ =	sdelay $0x7  }
0x32: {  	[tilespmem:v2+s18+$0x0] =	vst.idx.add.f32.msk $0xffff, v1  }
0x33: {  	v2 =	vld [tilespmem:$0xB0];
	_ =	sdelay $0x7  }
0x34: {  	[tilespmem:v2+s18+$0x0] =	vst.idx.add.f32.msk $0xffff, v1  }
0x35: {  	v2 =	vld [tilespmem:$0xC0];
	_ =	sdelay $0x7  }
0x36: {  	[tilespmem:v2+s18+$0x0] =	vst.idx.add.f32.msk $0xffff, v1  }
0x37: {  	v2 =	vld [tilespmem:$0xD0];
	_ =	sdelay $0x7  }
0x38: {  	[tilespmem:v2+s18+$0x0] =	vst.idx.add.f32.msk $0xffff, v1  }
0x39: {  	v2 =	vld [tilespmem:$0xE0];
	_ =	sdelay $0x7  }
0x3a: {  	[tilespmem:v2+s18+$0x0] =	vst.idx.add.f32.msk $0xffff, v1  }
0x3b: {  	v2 =	vld [tilespmem:$0xF0];
	_ =	sdelay $0x7  }
0x3c: {  	s31 =	sadd.s32 s29, s7;
	[tilespmem:v2+s18+$0x0] =	vst.idx.add.f32.msk $0xffff, v1  }
0x3d: {  	[spmem:s2] =	stream.indirect.scatter.add.f32 [tilespmem:s14], [sflag:$0x3], $0x80, s13, s13, $0xb8;
	[tilespmem:$0x1EC00] =	vst v63  }
0x3e: {  	s30 =	sadd.s32 $0x40, s31  }
0x3f: {  	[tilespmem:s19], [sflag:$0x5] =	stream.linear.gather [hbm4b:s30+s4], $0x200, $0x38;
	[tilespmem:$0x1EC00] =	vst v63  }
0x40: {  	_ =	swait.ge [sflag:s12], $0x200  }
0x41: {  	[sflag:s12] =	ssyncset.done $0x0  }
0x42: {  	[sflag:s12] =	ssyncadd.s32 $0xFFFFFE00  }
0x43: {  	_ =	swait.ge [sflag:s20], $0x4000  }
0x44: {  	[sflag:s20] =	ssyncset.done $0x0  }
0x45: {  	[sflag:s20] =	ssyncadd.s32 $0xFFFFC000  }
0x46: {  	[tilespmem:s14], [sflag:$0x1] =	stream.indirect.gather [hbm4b:s1+s13], $0x80, s19, s13, $0xb8;
	[tilespmem:$0x1EC00] =	vst v63  }
0x47: {  	_ =	swait.ge [sflag:s21], $0x4000  }
0x48: {  	[sflag:s21] =	ssyncset.done $0x0  }
0x49: {  	[sflag:s21] =	ssyncadd.s32 $0xFFFFC000  }
0x4a: {  	v2 =	vld [tilespmem:$0x180];
	_ =	sdelay $0x7  }
0x4b: {  	[tilespmem:v2+s18+$0x0] =	vst.idx.add.f32.msk $0xffff, v1  }
0x4c: {  	v2 =	vld [tilespmem:$0x190];
	_ =	sdelay $0x7  }
0x4d: {  	[tilespmem:v2+s18+$0x0] =	vst.idx.add.f32.msk $0xffff, v1  }
0x4e: {  	v2 =	vld [tilespmem:$0x1A0];
	_ =	sdelay $0x7  }
0x4f: {  	[tilespmem:v2+s18+$0x0] =	vst.idx.add.f32.msk $0xffff, v1  }
0x50: {  	v2 =	vld [tilespmem:$0x1B0];
	_ =	sdelay $0x7  }
0x51: {  	[tilespmem:v2+s18+$0x0] =	vst.idx.add.f32.msk $0xffff, v1  }
0x52: {  	v2 =	vld [tilespmem:$0x1C0];
	_ =	sdelay $0x7  }
0x53: {  	[tilespmem:v2+s18+$0x0] =	vst.idx.add.f32.msk $0xffff, v1  }
0x54: {  	v2 =	vld [tilespmem:$0x1D0];
	_ =	sdelay $0x7  }
0x55: {  	[tilespmem:v2+s18+$0x0] =	vst.idx.add.f32.msk $0xffff, v1  }
0x56: {  	v2 =	vld [tilespmem:$0x1E0];
	_ =	sdelay $0x7  }
0x57: {  	[tilespmem:v2+s18+$0x0] =	vst.idx.add.f32.msk $0xffff, v1  }
0x58: {  	v2 =	vld [tilespmem:$0x1F0];
	_ =	sdelay $0x7  }
0x59: {  	[tilespmem:v2+s18+$0x0] =	vst.idx.add.f32.msk $0xffff, v1  }
0x5a: {  	[spmem:s2] =	stream.indirect.scatter.add.f32 [tilespmem:s16], [sflag:$0x4], $0x80, s22, s13, $0xb8;
	[tilespmem:$0x1EC00] =	vst v63  }
0x5b: {  	_ =	swait.ge [sflag:s23], $0x4000  }
0x5c: {  	[sflag:s23] =	ssyncset.done $0x0  }
0x5d: {  	[sflag:s23] =	ssyncadd.s32 $0xFFFFC000  }
0x5e: {  	[tilespmem:s16], [sflag:$0x2] =	stream.indirect.gather [hbm4b:s1+s13], $0x80, s24, s13, $0xb8;
	[tilespmem:$0x1EC00] =	vst v63  }
0x5f: {  	_ =	swait.ge [sflag:s17], $0x4000  }
0x60: {  	[sflag:s17] =	ssyncset.done $0x0  }
0x61: {  	[sflag:s17] =	ssyncadd.s32 $0xFFFFC000  }
0x62: {  	v2 =	vld [tilespmem:$0x280];
	_ =	sdelay $0x7  }
0x63: {  	[tilespmem:v2+s18+$0x0] =	vst.idx.add.f32.msk $0xffff, v1  }
0x64: {  	v2 =	vld [tilespmem:$0x290];
	_ =	sdelay $0x7  }
0x65: {  	[tilespmem:v2+s18+$0x0] =	vst.idx.add.f32.msk $0xffff, v1  }
0x66: {  	v2 =	vld [tilespmem:$0x2A0];
	_ =	sdelay $0x7  }
0x67: {  	[tilespmem:v2+s18+$0x0] =	vst.idx.add.f32.msk $0xffff, v1  }
0x68: {  	v2 =	vld [tilespmem:$0x2B0];
	_ =	sdelay $0x7  }
0x69: {  	[tilespmem:v2+s18+$0x0] =	vst.idx.add.f32.msk $0xffff, v1  }
0x6a: {  	v2 =	vld [tilespmem:$0x2C0];
	_ =	sdelay $0x7  }
0x6b: {  	[tilespmem:v2+s18+$0x0] =	vst.idx.add.f32.msk $0xffff, v1  }
0x6c: {  	v2 =	vld [tilespmem:$0x2D0];
	_ =	sdelay $0x7  }
0x6d: {  	[tilespmem:v2+s18+$0x0] =	vst.idx.add.f32.msk $0xffff, v1  }
0x6e: {  	v2 =	vld [tilespmem:$0x2E0];
	_ =	sdelay $0x7  }
0x6f: {  	[tilespmem:v2+s18+$0x0] =	vst.idx.add.f32.msk $0xffff, v1  }
0x70: {  	v2 =	vld [tilespmem:$0x2F0];
	_ =	sdelay $0x6  }
0x71: {  	p0 =	seq.s32 s29, $0x980  }
0x72: {  	s30 =	simm.s32 @!p0 $0x3;
	[tilespmem:v2+s18+$0x0] =	vst.idx.add.f32.msk $0xffff, v1  }
0x73: {  	[spmem:s2] =	stream.indirect.scatter.add.f32 [tilespmem:s14], [sflag:$0x3], $0x80, s25, s13, $0xb8;
	[tilespmem:$0x1EC00] =	vst v63  }
0x74: {  	_ =	swait.ge @!p0 [sflag:s30], $0x4000  }
0x75: {  	s31 =	sadd.s32 @!p0 s29, s7;
	[sflag:s30] =	ssyncset.done @!p0 $0x0  }
0x76: {  	[sflag:s30] =	ssyncadd.s32 @!p0 $0xFFFFC000;
	s30 =	sadd.s32 @!p0 $0x80, s31;
	s31 =	simm.s32 @!p0 $0x0  }
0x77: {  	[tilespmem:s31], [sflag:$0x5] =	stream.linear.gather @!p0 [hbm4b:s30+s31], $0x200, $0x38;
	[tilespmem:$0x1EC00] =	vst v63  }
0x78: {  	s30 =	simm.s32 @!p0 $0x5  }
0x79: {  	_ =	swait.ge @!p0 [sflag:s30], $0x200  }
0x7a: {  	[sflag:s30] =	ssyncset.done @!p0 $0x0  }
0x7b: {  	s0 =	simm.s32 @!p0 $0x400;
	[sflag:s30] =	ssyncadd.s32 @!p0 $0xFFFFFE00;
	s30 =	simm.s32 @!p0 $0x80  }
0x7c: {  	[tilespmem:s0], [sflag:$0x1] =	stream.indirect.gather @!p0 [hbm4b:s1+s30], $0x80, s31, s30, $0xb8;
	[tilespmem:$0x1EC00] =	vst v63  }
0x7d: {  	_ =	swait.ge [sflag:s21], $0x4000  }
0x7e: {  	[sflag:s21] =	ssyncset.done $0x0  }
0x7f: {  	[sflag:s21] =	ssyncadd.s32 $0xFFFFC000  }
0x80: {  	v2 =	vld [tilespmem:$0x380];
	_ =	sdelay $0x7  }
0x81: {  	[tilespmem:v2+s18+$0x0] =	vst.idx.add.f32.msk $0xffff, v1  }
0x82: {  	v2 =	vld [tilespmem:$0x390];
	_ =	sdelay $0x7  }
0x83: {  	[tilespmem:v2+s18+$0x0] =	vst.idx.add.f32.msk $0xffff, v1  }
0x84: {  	v2 =	vld [tilespmem:$0x3A0];
	_ =	sdelay $0x7  }
0x85: {  	[tilespmem:v2+s18+$0x0] =	vst.idx.add.f32.msk $0xffff, v1  }
0x86: {  	v2 =	vld [tilespmem:$0x3B0];
	_ =	sdelay $0x7  }
0x87: {  	[tilespmem:v2+s18+$0x0] =	vst.idx.add.f32.msk $0xffff, v1  }
0x88: {  	v2 =	vld [tilespmem:$0x3C0];
	_ =	sdelay $0x7  }
0x89: {  	[tilespmem:v2+s18+$0x0] =	vst.idx.add.f32.msk $0xffff, v1  }
0x8a: {  	v2 =	vld [tilespmem:$0x3D0];
	_ =	sdelay $0x7  }
0x8b: {  	[tilespmem:v2+s18+$0x0] =	vst.idx.add.f32.msk $0xffff, v1  }
0x8c: {  	v2 =	vld [tilespmem:$0x3E0];
	_ =	sdelay $0x7  }
0x8d: {  	[tilespmem:v2+s18+$0x0] =	vst.idx.add.f32.msk $0xffff, v1  }
0x8e: {  	v2 =	vld [tilespmem:$0x3F0];
	_ =	sdelay $0x2  }
0x8f: {  	s29 =	sadd.s32 $0x80, s29  }
0x90: {  	p0 =	sne.s32 s29, $0xA00  }
.Ltmp1:
0x91: {  	_ = 	snop;
	(pc) =	sbr.rel @p0 .LBB2_4-.Ltmp1, $3  }
0x92: {  	_ =	sdelay $0x1  }
0x93: {  	[tilespmem:v2+s18+$0x0] =	vst.idx.add.f32.msk $0xffff, v1  }
0x94: {  	[spmem:s2] =	stream.indirect.scatter.add.f32 [tilespmem:s16], [sflag:$0x4], $0x80, s26, s13, $0xb8;
	[tilespmem:$0x1EC00] =	vst v63  }
0x95: {  	_ =	swait.ge [sflag:s20], $0x4000  }
0x96: {  	[sflag:s20] =	ssyncset.done $0x0  }
0x97: {  	[sflag:s20] =	ssyncadd.s32 $0xFFFFC000  }
0x98: {  	_ =	swait.ge [sflag:s23], $0x4000  }
0x99: {  	[sflag:s23] =	ssyncset.done $0x0  }
0x9a: {  	[sflag:s23] =	ssyncadd.s32 $0xFFFFC000  }
0x9b: {  	[bflag:$0x0] =	sbarrier.arrive $0xFFFF  }
0x9c: {  	[hbm:s8], [sflag:s6] =	dma.local [spmem:s11], $0x2800  }
0x9d: {  	s28 =	sadd.s32 $0x1, s28;
	_ =	swait.ge [sflag:s12], $0x2800  }
0x9e: {  	p0 =	sne.s32 s28, s10;
	[sflag:s12] =	ssyncset.done $0x0  }
.Ltmp2:
0x9f: {  	[sflag:s12] =	ssyncadd.s32 $0xFFFFD800;
	(pc) =	sbr.rel @p0 .LBB2_1-.Ltmp2, $4  }
0xa0: {  	[hbm4b:s9+s4] =	stream.linear.scatter [tilespmem:s18], [sflag:$0x5], $0x2800, $0x38;
	[tilespmem:$0x1EC00] =	vst v63  }
0xa1: {  	_ =	swait.ge [sflag:s12], $0x2800  }
0xa2: {  	[sflag:s12] =	ssyncset.done $0x0  }
0xa3: {  	[sflag:s12] =	ssyncadd.s32 $0xFFFFD800  }
0xa4: {  	_ =	sfence.sel $0x180000  }
0xa5: {  	[bflag:$0x0] =	sbarrier.arrive $0xFFFF  }
0xa6: {  	_ =	strace $0x90000047  }
0xa7: {  	[bflag:$0x2] =	sbarrier.arrive $0xFFFF  }
0xa8: {  	p0 =	sne.s32 s3, $0x0;
	s0 =	rddreg [dreg:$0x4]  }
0xa9: {  	s0 =	sadd.s32 @!p0 $0x100000, s0  }
0xaa: {  	[sflag:s0] =	ssyncadd.tile.s32 @!p0 $0x1;
	_ =	shalt  }
.Lfunc_end2:
_tile_overlayer_lowered:
.L_overlay_start_2:
0xab: {  	(tag) =	ssettag $0x2  }
0xac: {  	s0 =	rddreg [dreg:$0x0];
	s2 =	stileid.u32  }
0xad: {  	s1 =	rddreg [dreg:$0x1];
	p0 =	sne.s32 s2, $0x0  }
0xae: {  	s3 =	rddreg [dreg:$0x2];
	[bflag:$0x3] =	sbarrier.arrive $0xFFFF;
	s2 =	simm.s32 @!p0 $0x1C05  }
0xaf: {  	[timem:s3], [sflag:s2] =	dma.local @!p0 [hbm:s0], s1  }
0xb0: {  	s0 =	simm.s32 @!p0 $0x5  }
0xb1: {  	_ =	swait.ge @!p0 [sflag:s0], s1  }
0xb2: {  	s1 =	ssub.s32 @!p0 $0x0, s1;
	[sflag:s0] =	ssyncset.done @!p0 $0x0  }
0xb3: {  	[sflag:s0] =	ssyncadd.s32 @!p0 s1  }
0xb4: {  	[bflag:$0x3] =	sbarrier.arrive $0xFFFF  }
0xb5: {  	_ =	shalt  }

</sc_bundles>
